<compile_context>
chip_gen: v7x
topology: tpu7x:2x2x1
jax: 0.10.2.dev20260603
libtpu: 0.0.44.dev20260713+nightly
codegen_flags: <defaults>
</compile_context>

<pallas_src>
import functools

import jax
import jax.numpy as jnp
from jax import lax
from jax.experimental import pallas as pl
from jax.experimental.pallas import tpu as pltpu
from jax.experimental.pallas import tpu_sc as plsc

N = 10000
D = 128
E = 320000
NC, NS = 2, 16
DH = D // NC
EPW = E // NS
C = 80
K = 250
PAD = K * C - EPW
KH = K // 2
NP = 10240
TRASH = NP - 1
STRIPE = NP // NS
CW = 8

_mesh = plsc.VectorSubcoreMesh(
    core_axis_name="c", subcore_axis_name="s", num_cores=NC, num_subcores=NS
)



def _agg_body(with_cnt):
    def body(t_hbm, idx_hbm, zeros_hbm, *rest):
        if with_cnt:
            (z8_hbm, ones_hbm, aggp_hbm, cntp_hbm,
             acc_sh, cnt_sh, idx_v, r0, r1, ones_v, g0, g1) = rest
        else:
            (aggp_hbm, acc_sh, idx_v, r0, r1, g0, g1) = rest
        bufs = (r0, r1)
        gs = (g0, g1)
        cid = lax.axis_index("c")
        sid = lax.axis_index("s")
        rbase = sid * STRIPE
        pltpu.sync_copy(idx_hbm.at[cid].at[sid], idx_v)
        pltpu.sync_copy(zeros_hbm, acc_sh.at[pl.ds(rbase, STRIPE)])
        if with_cnt:
            pltpu.sync_copy(ones_hbm, ones_v)
            pltpu.sync_copy(z8_hbm, cnt_sh.at[pl.ds(rbase, STRIPE)])
        plsc.subcore_barrier()

        def gather(k, b):
            pltpu.async_copy(t_hbm.at[idx_v.at[0].at[k]], bufs[b], gs[b])

        def gwait(k, b):
            pltpu.make_async_copy(t_hbm.at[idx_v.at[0].at[k]], bufs[b],
                                  gs[b]).wait()

        def put(k, b):
            pltpu.sync_copy(bufs[b], acc_sh.at[idx_v.at[1].at[k]], add=True)
            if with_cnt:
                do_cnt = jnp.where(cid == 0, k < KH, k >= KH)

                @pl.when(do_cnt)
                def _():
                    pltpu.sync_copy(ones_v, cnt_sh.at[idx_v.at[1].at[k]],
                                    add=True)

        gather(0, 0)

        def step(i, carry):
            k = 2 * i
            gather(k + 1, 1)
            gwait(k, 0)
            put(k, 0)

            @pl.when(i < K // 2 - 1)
            def _():
                gather(k + 2, 0)
            gwait(k + 1, 1)
            put(k + 1, 1)
            return carry

        lax.fori_loop(0, K // 2, step, 0)
        plsc.subcore_barrier()
        pltpu.sync_copy(acc_sh.at[pl.ds(rbase, STRIPE)],
                        aggp_hbm.at[pl.ds(rbase, STRIPE), pl.ds(cid * DH, DH)])
        if with_cnt:
            pltpu.sync_copy(cnt_sh.at[pl.ds(rbase, STRIPE)],
                            cntp_hbm.at[pl.ds(rbase, STRIPE),
                                        pl.ds(cid * CW, CW)])
    return body


_agg_cnt = pl.kernel(
    _agg_body(True),
    out_type=(
        jax.ShapeDtypeStruct((NP, D), jnp.float32),
        jax.ShapeDtypeStruct((NP, D), jnp.float32),
    ),
    mesh=_mesh,
    compiler_params=pltpu.CompilerParams(use_tc_tiling_on_sc=False),
    scratch_types=[
        pltpu.VMEM_SHARED((NP, DH), jnp.float32),
        pltpu.VMEM_SHARED((NP, CW), jnp.float32),
        pltpu.VMEM((2, K, C), jnp.int32),
        pltpu.VMEM((C, DH), jnp.float32),
        pltpu.VMEM((C, DH), jnp.float32),
        pltpu.VMEM((C, CW), jnp.float32),
        pltpu.SemaphoreType.DMA,
        pltpu.SemaphoreType.DMA,
    ],
)

_agg_nocnt = pl.kernel(
    _agg_body(False),
    out_type=jax.ShapeDtypeStruct((NP, D), jnp.float32),
    mesh=_mesh,
    compiler_params=pltpu.CompilerParams(use_tc_tiling_on_sc=False),
    scratch_types=[
        pltpu.VMEM_SHARED((NP, DH), jnp.float32),
        pltpu.VMEM((2, K, C), jnp.int32),
        pltpu.VMEM((C, DH), jnp.float32),
        pltpu.VMEM((C, DH), jnp.float32),
        pltpu.SemaphoreType.DMA,
        pltpu.SemaphoreType.DMA,
    ],
)



def _dotT(a, w):
    return lax.dot_general(a, w, (((1,), (1,)), ((), ())),
                           preferred_element_type=jnp.float32)


def _lin2_body(x_ref, wl_ref, wr_ref, b_ref, t_ref, r_ref):
    x = x_ref[...]
    t_ref[...] = _dotT(x, wl_ref[...])
    r_ref[...] = _dotT(x, wr_ref[...]) + b_ref[...][None, :]


def _lin2(x, wl, wr, b):
    return pl.pallas_call(
        _lin2_body,
        out_shape=(
            jax.ShapeDtypeStruct((N, D), jnp.float32),
            jax.ShapeDtypeStruct((N, D), jnp.float32),
        ),
    )(x, wl, wr, b)


def _mean(p_ref, cntp_ref):
    cnt = cntp_ref[0:N, 0:1] + cntp_ref[0:N, CW:CW + 1]
    inv = 1.0 / jnp.maximum(cnt, 1.0)
    return p_ref[0:N, :] * inv


def _mid_body(p_ref, cntp_ref, r1_ref, wl_ref, wr_ref, b_ref, t_ref, r_ref):
    h = jnp.maximum(_mean(p_ref, cntp_ref) + r1_ref[...], 0.0)
    t_ref[...] = _dotT(h, wl_ref[...])
    r_ref[...] = _dotT(h, wr_ref[...]) + b_ref[...][None, :]


def _mid(aggp, cntp, r1, wl, wr, b):
    return pl.pallas_call(
        _mid_body,
        out_shape=(
            jax.ShapeDtypeStruct((N, D), jnp.float32),
            jax.ShapeDtypeStruct((N, D), jnp.float32),
        ),
    )(aggp, cntp, r1, wl, wr, b)


def _final_body(q_ref, cntp_ref, r2_ref, o_ref):
    o_ref[...] = _mean(q_ref, cntp_ref) + r2_ref[...]


def _final(qp, cntp, r2):
    return pl.pallas_call(
        _final_body,
        out_shape=jax.ShapeDtypeStruct((N, D), jnp.float32),
    )(qp, cntp, r2)


def kernel(x, edge_index, W1_l, b1_l, W1_r, W2_l, b2_l, W2_r):
    src = edge_index[0].astype(jnp.int32)
    dst = edge_index[1].astype(jnp.int32)
    sg = jnp.pad((2 * src).reshape(NS, EPW), ((0, 0), (0, PAD)))
    sg = sg[None] + jnp.arange(NC, dtype=jnp.int32)[:, None, None]
    dd = jnp.pad(dst.reshape(NS, EPW), ((0, 0), (0, PAD)),
                 constant_values=TRASH)
    dd = jnp.broadcast_to(dd[None], (NC, NS, K * C))
    idx_all = jnp.stack([sg, dd], axis=2).reshape(NC, NS, 2, K, C)
    zeros = jnp.zeros((STRIPE, DH), jnp.float32)
    z8 = jnp.zeros((STRIPE, CW), jnp.float32)
    ones = jnp.ones((C, CW), jnp.float32)
    t1, r1 = _lin2(x, W1_l, W1_r, b1_l)
    aggp, cntp = _agg_cnt(t1.reshape(2 * N, DH), idx_all, zeros, z8, ones)
    t2, r2 = _mid(aggp, cntp, r1, W2_l, W2_r, b2_l)
    qp = _agg_nocnt(t2.reshape(2 * N, DH), idx_all, zeros)
    return _final(qp, cntp, r2)

# --- scband reference (transcript-rebuilt; emitter-appended) ---
"""Pipeline reference for scband-graph-sage-24670292148713 (READ-ONLY COPY).

The authoritative reference and input builder live on the scoring server;
editing this copy changes nothing except your own understanding.
"""

import jax, jax.numpy as jnp
import numpy as np

N_NODES = 10000
N_EDGES = 320000
D = 128


def setup_inputs(seed: int = 0) -> dict:
    key = jax.random.key(seed)
    ks = jax.random.split(key, 8)
    x = jax.random.normal(ks[0], (N_NODES, D), dtype=jnp.float32)
    edge_index = jax.random.randint(ks[1], (2, N_EDGES), 0, N_NODES, dtype=jnp.int64)
    s = 1.0 / np.sqrt(D)
    W1_l = jax.random.uniform(ks[2], (D, D), dtype=jnp.float32, minval=-s, maxval=s)
    b1_l = jnp.zeros((D,), dtype=jnp.float32)
    W1_r = jax.random.uniform(ks[3], (D, D), dtype=jnp.float32, minval=-s, maxval=s)
    W2_l = jax.random.uniform(ks[4], (D, D), dtype=jnp.float32, minval=-s, maxval=s)
    b2_l = jnp.zeros((D,), dtype=jnp.float32)
    W2_r = jax.random.uniform(ks[5], (D, D), dtype=jnp.float32, minval=-s, maxval=s)
    return {"x": x, "edge_index": edge_index, "W1_l": W1_l, "b1_l": b1_l, "W1_r": W1_r,
            "W2_l": W2_l, "b2_l": b2_l, "W2_r": W2_r}


def _sage_conv(x, edge_index, W_l, b_l, W_r):
    # PyG SAGEConv with mean aggregation:
    # out = lin_l(mean_{j in N(i)} x_j) + lin_r(x_i)
    src = edge_index[0]
    dst = edge_index[1]
    n = x.shape[0]
    msg = jnp.take(x, src, axis=0)                      # gather (SparseCore)
    agg = jax.ops.segment_sum(msg, dst, num_segments=n)  # scatter-add
    cnt = jax.ops.segment_sum(jnp.ones((edge_index.shape[1],), dtype=x.dtype), dst, num_segments=n)
    cnt = jnp.clip(cnt, 1.0, None)
    mean = agg / cnt[:, None]
    return mean @ W_l.T + b_l + x @ W_r.T


def reference(x, edge_index, W1_l, b1_l, W1_r, W2_l, b2_l, W2_r):
    h = _sage_conv(x, edge_index, W1_l, b1_l, W1_r)
    h = jax.nn.relu(h)
    # dropout p=0.0 (eval) -> identity
    out = _sage_conv(h, edge_index, W2_l, b2_l, W2_r)
    return out

if __name__ == "__main__":
    import jax
    _d = setup_inputs()
    print(jax.jit(kernel)(*tuple(_d.values())))

</pallas_src>

<mosaic_0001>
#map = affine_map<(d0, d1) -> (0, 0)>
#map1 = affine_map<(d0, d1) -> (0, 0, 0, 0, 0)>
module attributes {stable_mosaic.version = 14 : i64} {
  func.func @body(%arg0: i32, %arg1: i32, %arg2: memref<20000x64xf32, #tpu.memory_space<hbm>>, %arg3: memref<2x16x2x250x80xi32, #tpu.memory_space<hbm>>, %arg4: memref<640x64xf32, #tpu.memory_space<hbm>>, %arg5: memref<640x8xf32, #tpu.memory_space<hbm>>, %arg6: memref<80x8xf32, #tpu.memory_space<hbm>>, %arg7: memref<10240x128xf32, #tpu.memory_space<hbm>>, %arg8: memref<10240x128xf32, #tpu.memory_space<hbm>>, %arg9: memref<10240x64xf32, #tpu.memory_space<vmem_shared>>, %arg10: memref<10240x8xf32, #tpu.memory_space<vmem_shared>>, %arg11: memref<2x250x80xi32, #tpu.memory_space<vmem>>, %arg12: memref<80x64xf32, #tpu.memory_space<vmem>>, %arg13: memref<80x64xf32, #tpu.memory_space<vmem>>, %arg14: memref<80x8xf32, #tpu.memory_space<vmem>>, %arg15: memref<!tpu.dma_semaphore, #tpu.memory_space<semaphore_mem>>, %arg16: memref<!tpu.dma_semaphore, #tpu.memory_space<semaphore_mem>>) attributes {dimension_semantics = [#tpu.dimension_semantics<core_parallel>, #tpu.dimension_semantics<subcore_parallel>], iteration_bounds = array<i64: 2, 16>, scalar_prefetch = 0 : i64, scratch_operands = 8 : i64, tpu.core_type = #tpu.core_type<sc_vector_subcore>, window_params = [{transform_indices = #map}, {transform_indices = #map1}, {transform_indices = #map}, {transform_indices = #map}, {transform_indices = #map}, {transform_indices = #map}, {transform_indices = #map}]} {
    %mul3A = arith.constant 640 : i32
    %mul3A_0 = arith.muli %arg1, %mul3A : i32
    "tpu.region"() ({
      %run_scoped3A = tpu.sem_alloc : memref<!tpu.dma_semaphore, #tpu.memory_space<semaphore_mem>>
      %dma_start3A_22 = arith.constant 0 : i32
      %dma_start3A_23 = arith.constant 0 : i32
      %dma_start3A_24 = arith.constant 0 : i32
      %dma_start3A_25 = arith.constant 0 : i32
      %dma_start3A_26 = tpu.memref_slice %arg3[%arg0, %dma_start3A_22, %dma_start3A_23, %dma_start3A_24, %dma_start3A_25] : memref<2x16x2x250x80xi32, #tpu.memory_space<hbm>> -> memref<1x16x2x250x80xi32, #tpu.memory_space<hbm>>
      %dma_start3A_27 = tpu.memref_squeeze %dma_start3A_26 : memref<1x16x2x250x80xi32, #tpu.memory_space<hbm>> -> memref<16x2x250x80xi32, #tpu.memory_space<hbm>>
      %dma_start3A_28 = arith.constant 0 : i32
      %dma_start3A_29 = arith.constant 0 : i32
      %dma_start3A_30 = arith.constant 0 : i32
      %dma_start3A_31 = tpu.memref_slice %dma_start3A_27[%arg1, %dma_start3A_28, %dma_start3A_29, %dma_start3A_30] : memref<16x2x250x80xi32, #tpu.memory_space<hbm>> -> memref<1x2x250x80xi32, #tpu.memory_space<hbm>>
      %dma_start3A_32 = tpu.memref_squeeze %dma_start3A_31 : memref<1x2x250x80xi32, #tpu.memory_space<hbm>> -> memref<2x250x80xi32, #tpu.memory_space<hbm>>
      %dma_start3A_33 = arith.constant 0 : i32
      %dma_start3A_34 = arith.constant 0 : i32
      %dma_start3A_35 = arith.constant 0 : i32
      %dma_start3A_36 = arith.constant 0 : i32
      %dma_start3A_37 = tpu.memref_slice %arg3[%arg0, %dma_start3A_33, %dma_start3A_34, %dma_start3A_35, %dma_start3A_36] : memref<2x16x2x250x80xi32, #tpu.memory_space<hbm>> -> memref<1x16x2x250x80xi32, #tpu.memory_space<hbm>>
      %dma_start3A_38 = tpu.memref_squeeze %dma_start3A_37 : memref<1x16x2x250x80xi32, #tpu.memory_space<hbm>> -> memref<16x2x250x80xi32, #tpu.memory_space<hbm>>
      %dma_start3A_39 = arith.constant 0 : i32
      %dma_start3A_40 = arith.constant 0 : i32
      %dma_start3A_41 = arith.constant 0 : i32
      %dma_start3A_42 = tpu.memref_slice %dma_start3A_38[%arg1, %dma_start3A_39, %dma_start3A_40, %dma_start3A_41] : memref<16x2x250x80xi32, #tpu.memory_space<hbm>> -> memref<1x2x250x80xi32, #tpu.memory_space<hbm>>
      %dma_start3A_43 = tpu.memref_squeeze %dma_start3A_42 : memref<1x2x250x80xi32, #tpu.memory_space<hbm>> -> memref<2x250x80xi32, #tpu.memory_space<hbm>>
      tpu.enqueue_dma source(%dma_start3A_43 : memref<2x250x80xi32, #tpu.memory_space<hbm>>) target(%arg11 : memref<2x250x80xi32, #tpu.memory_space<vmem>>) target_semaphore(%run_scoped3A : memref<!tpu.dma_semaphore, #tpu.memory_space<semaphore_mem>>)
      %dma_wait3A = arith.constant 0 : i32
      %dma_wait3A_44 = arith.constant 0 : i32
      %dma_wait3A_45 = arith.constant 0 : i32
      %dma_wait3A_46 = arith.constant 0 : i32
      %dma_wait3A_47 = tpu.memref_slice %arg3[%arg0, %dma_wait3A, %dma_wait3A_44, %dma_wait3A_45, %dma_wait3A_46] : memref<2x16x2x250x80xi32, #tpu.memory_space<hbm>> -> memref<1x16x2x250x80xi32, #tpu.memory_space<hbm>>
      %dma_wait3A_48 = tpu.memref_squeeze %dma_wait3A_47 : memref<1x16x2x250x80xi32, #tpu.memory_space<hbm>> -> memref<16x2x250x80xi32, #tpu.memory_space<hbm>>
      %dma_wait3A_49 = arith.constant 0 : i32
      %dma_wait3A_50 = arith.constant 0 : i32
      %dma_wait3A_51 = arith.constant 0 : i32
      %dma_wait3A_52 = tpu.memref_slice %dma_wait3A_48[%arg1, %dma_wait3A_49, %dma_wait3A_50, %dma_wait3A_51] : memref<16x2x250x80xi32, #tpu.memory_space<hbm>> -> memref<1x2x250x80xi32, #tpu.memory_space<hbm>>
      %dma_wait3A_53 = tpu.memref_squeeze %dma_wait3A_52 : memref<1x2x250x80xi32, #tpu.memory_space<hbm>> -> memref<2x250x80xi32, #tpu.memory_space<hbm>>
      %dma_wait3A_54 = arith.constant 0 : i32
      %dma_wait3A_55 = arith.constant 0 : i32
      %dma_wait3A_56 = arith.constant 0 : i32
      %dma_wait3A_57 = arith.constant 0 : i32
      %dma_wait3A_58 = tpu.memref_slice %arg3[%arg0, %dma_wait3A_54, %dma_wait3A_55, %dma_wait3A_56, %dma_wait3A_57] : memref<2x16x2x250x80xi32, #tpu.memory_space<hbm>> -> memref<1x16x2x250x80xi32, #tpu.memory_space<hbm>>
      %dma_wait3A_59 = tpu.memref_squeeze %dma_wait3A_58 : memref<1x16x2x250x80xi32, #tpu.memory_space<hbm>> -> memref<16x2x250x80xi32, #tpu.memory_space<hbm>>
      %dma_wait3A_60 = arith.constant 0 : i32
      %dma_wait3A_61 = arith.constant 0 : i32
      %dma_wait3A_62 = arith.constant 0 : i32
      %dma_wait3A_63 = tpu.memref_slice %dma_wait3A_59[%arg1, %dma_wait3A_60, %dma_wait3A_61, %dma_wait3A_62] : memref<16x2x250x80xi32, #tpu.memory_space<hbm>> -> memref<1x2x250x80xi32, #tpu.memory_space<hbm>>
      %dma_wait3A_64 = tpu.memref_squeeze %dma_wait3A_63 : memref<1x2x250x80xi32, #tpu.memory_space<hbm>> -> memref<2x250x80xi32, #tpu.memory_space<hbm>>
      tpu.wait_dma2 semaphore(%run_scoped3A : memref<!tpu.dma_semaphore, #tpu.memory_space<semaphore_mem>>) src(%dma_wait3A_64 : memref<2x250x80xi32, #tpu.memory_space<hbm>>) dst(%arg11 : memref<2x250x80xi32, #tpu.memory_space<vmem>>)
      tpu.yield
    }) : () -> ()
    "tpu.region"() ({
      %run_scoped3A = tpu.sem_alloc : memref<!tpu.dma_semaphore, #tpu.memory_space<semaphore_mem>>
      %dma_start3A_22 = arith.constant 0 : i32
      %dma_start3A_23 = tpu.memref_slice %arg9[%mul3A_0, %dma_start3A_22] : memref<10240x64xf32, #tpu.memory_space<vmem_shared>> -> memref<640x64xf32, #tpu.memory_space<vmem_shared>>
      tpu.enqueue_dma source(%arg4 : memref<640x64xf32, #tpu.memory_space<hbm>>) target(%dma_start3A_23 : memref<640x64xf32, #tpu.memory_space<vmem_shared>>) target_semaphore(%run_scoped3A : memref<!tpu.dma_semaphore, #tpu.memory_space<semaphore_mem>>)
      %dma_wait3A = arith.constant 0 : i32
      %dma_wait3A_24 = tpu.memref_slice %arg9[%mul3A_0, %dma_wait3A] : memref<10240x64xf32, #tpu.memory_space<vmem_shared>> -> memref<640x64xf32, #tpu.memory_space<vmem_shared>>
      tpu.wait_dma2 semaphore(%run_scoped3A : memref<!tpu.dma_semaphore, #tpu.memory_space<semaphore_mem>>) src(%arg4 : memref<640x64xf32, #tpu.memory_space<hbm>>) dst(%dma_wait3A_24 : memref<640x64xf32, #tpu.memory_space<vmem_shared>>)
      tpu.yield
    }) : () -> ()
    "tpu.region"() ({
      %run_scoped3A = tpu.sem_alloc : memref<!tpu.dma_semaphore, #tpu.memory_space<semaphore_mem>>
      tpu.enqueue_dma source(%arg6 : memref<80x8xf32, #tpu.memory_space<hbm>>) target(%arg14 : memref<80x8xf32, #tpu.memory_space<vmem>>) target_semaphore(%run_scoped3A : memref<!tpu.dma_semaphore, #tpu.memory_space<semaphore_mem>>)
      tpu.wait_dma2 semaphore(%run_scoped3A : memref<!tpu.dma_semaphore, #tpu.memory_space<semaphore_mem>>) src(%arg6 : memref<80x8xf32, #tpu.memory_space<hbm>>) dst(%arg14 : memref<80x8xf32, #tpu.memory_space<vmem>>)
      tpu.yield
    }) : () -> ()
    "tpu.region"() ({
      %run_scoped3A = tpu.sem_alloc : memref<!tpu.dma_semaphore, #tpu.memory_space<semaphore_mem>>
      %dma_start3A_22 = arith.constant 0 : i32
      %dma_start3A_23 = tpu.memref_slice %arg10[%mul3A_0, %dma_start3A_22] : memref<10240x8xf32, #tpu.memory_space<vmem_shared>> -> memref<640x8xf32, #tpu.memory_space<vmem_shared>>
      tpu.enqueue_dma source(%arg5 : memref<640x8xf32, #tpu.memory_space<hbm>>) target(%dma_start3A_23 : memref<640x8xf32, #tpu.memory_space<vmem_shared>>) target_semaphore(%run_scoped3A : memref<!tpu.dma_semaphore, #tpu.memory_space<semaphore_mem>>)
      %dma_wait3A = arith.constant 0 : i32
      %dma_wait3A_24 = tpu.memref_slice %arg10[%mul3A_0, %dma_wait3A] : memref<10240x8xf32, #tpu.memory_space<vmem_shared>> -> memref<640x8xf32, #tpu.memory_space<vmem_shared>>
      tpu.wait_dma2 semaphore(%run_scoped3A : memref<!tpu.dma_semaphore, #tpu.memory_space<semaphore_mem>>) src(%arg5 : memref<640x8xf32, #tpu.memory_space<hbm>>) dst(%dma_wait3A_24 : memref<640x8xf32, #tpu.memory_space<vmem_shared>>)
      tpu.yield
    }) : () -> ()
    %barrier3A = arith.constant 0 : index
    tpu.barrier barrier_id(%barrier3A)
    %dma_start3A = arith.constant 0 : i32
    %dma_start3A_1 = arith.constant 0 : i32
    %dma_start3A_2 = arith.constant 0 : i32
    %dma_start3A_3 = arith.constant 0 : i32
    %dma_start3A_4 = tpu.memref_slice %arg11[%dma_start3A, %dma_start3A_2, %dma_start3A_3] : memref<2x250x80xi32, #tpu.memory_space<vmem>> -> memref<1x250x80xi32, #tpu.memory_space<vmem>>
    %dma_start3A_5 = tpu.memref_squeeze %dma_start3A_4 : memref<1x250x80xi32, #tpu.memory_space<vmem>> -> memref<250x80xi32, #tpu.memory_space<vmem>>
    %dma_start3A_6 = arith.constant 0 : i32
    %dma_start3A_7 = tpu.memref_slice %dma_start3A_5[%dma_start3A_1, %dma_start3A_6] : memref<250x80xi32, #tpu.memory_space<vmem>> -> memref<1x80xi32, #tpu.memory_space<vmem>>
    %dma_start3A_8 = tpu.memref_squeeze %dma_start3A_7 : memref<1x80xi32, #tpu.memory_space<vmem>> -> memref<80xi32, #tpu.memory_space<vmem>>
    %dma_start3A_9 = arith.constant 0 : i32
    %dma_start3A_10 = arith.constant 0 : i32
    %dma_start3A_11 = tpu.memref_slice %arg2[%dma_start3A_9, %dma_start3A_10] : memref<20000x64xf32, #tpu.memory_space<hbm>> -> memref<20000x64xf32, #tpu.memory_space<hbm>>
    tpu.enqueue_indirect_dma source(%dma_start3A_11 : memref<20000x64xf32, #tpu.memory_space<hbm>>) target(%arg12 : memref<80x64xf32, #tpu.memory_space<vmem>>) offsets(%dma_start3A_8 : memref<80xi32, #tpu.memory_space<vmem>>) semaphore(%arg15 : memref<!tpu.dma_semaphore, #tpu.memory_space<semaphore_mem>>)
    %scan3A = arith.constant 0 : i32
    %scan3A_12 = arith.constant 0 : i32
    %scan3A_13 = arith.constant 125 : i32
    %scan3A_14 = arith.addi %scan3A_12, %scan3A_13 : i32
    %scan3A_15 = arith.constant 1 : i32
    scf.for %scan3A_22 = %scan3A_12 to %scan3A_14 step %scan3A_15  : i32 {
      %mul3A_23 = arith.constant 2 : i32
      %mul3A_24 = arith.muli %mul3A_23, %scan3A_22 : i32
      %add3A = arith.constant 1 : i32
      %add3A_25 = arith.addi %mul3A_24, %add3A : i32
      %dma_start3A_26 = arith.constant 0 : i32
      %dma_start3A_27 = arith.constant 0 : i32
      %dma_start3A_28 = arith.constant 0 : i32
      %dma_start3A_29 = tpu.memref_slice %arg11[%dma_start3A_26, %dma_start3A_27, %dma_start3A_28] : memref<2x250x80xi32, #tpu.memory_space<vmem>> -> memref<1x250x80xi32, #tpu.memory_space<vmem>>
      %dma_start3A_30 = tpu.memref_squeeze %dma_start3A_29 : memref<1x250x80xi32, #tpu.memory_space<vmem>> -> memref<250x80xi32, #tpu.memory_space<vmem>>
      %dma_start3A_31 = arith.constant 0 : i32
      %dma_start3A_32 = tpu.memref_slice %dma_start3A_30[%add3A_25, %dma_start3A_31] : memref<250x80xi32, #tpu.memory_space<vmem>> -> memref<1x80xi32, #tpu.memory_space<vmem>>
      %dma_start3A_33 = tpu.memref_squeeze %dma_start3A_32 : memref<1x80xi32, #tpu.memory_space<vmem>> -> memref<80xi32, #tpu.memory_space<vmem>>
      %dma_start3A_34 = arith.constant 0 : i32
      %dma_start3A_35 = arith.constant 0 : i32
      %dma_start3A_36 = tpu.memref_slice %arg2[%dma_start3A_34, %dma_start3A_35] : memref<20000x64xf32, #tpu.memory_space<hbm>> -> memref<20000x64xf32, #tpu.memory_space<hbm>>
      tpu.enqueue_indirect_dma source(%dma_start3A_36 : memref<20000x64xf32, #tpu.memory_space<hbm>>) target(%arg13 : memref<80x64xf32, #tpu.memory_space<vmem>>) offsets(%dma_start3A_33 : memref<80xi32, #tpu.memory_space<vmem>>) semaphore(%arg16 : memref<!tpu.dma_semaphore, #tpu.memory_space<semaphore_mem>>)
      %dma_wait3A = arith.constant 0 : i32
      %dma_wait3A_37 = arith.constant 0 : i32
      %dma_wait3A_38 = arith.constant 0 : i32
      %dma_wait3A_39 = tpu.memref_slice %arg11[%dma_wait3A, %dma_wait3A_37, %dma_wait3A_38] : memref<2x250x80xi32, #tpu.memory_space<vmem>> -> memref<1x250x80xi32, #tpu.memory_space<vmem>>
      %dma_wait3A_40 = tpu.memref_squeeze %dma_wait3A_39 : memref<1x250x80xi32, #tpu.memory_space<vmem>> -> memref<250x80xi32, #tpu.memory_space<vmem>>
      %dma_wait3A_41 = arith.constant 0 : i32
      %dma_wait3A_42 = tpu.memref_slice %dma_wait3A_40[%mul3A_24, %dma_wait3A_41] : memref<250x80xi32, #tpu.memory_space<vmem>> -> memref<1x80xi32, #tpu.memory_space<vmem>>
      %dma_wait3A_43 = tpu.memref_squeeze %dma_wait3A_42 : memref<1x80xi32, #tpu.memory_space<vmem>> -> memref<80xi32, #tpu.memory_space<vmem>>
      %dma_wait3A_44 = arith.constant 0 : i32
      %dma_wait3A_45 = arith.constant 0 : i32
      %dma_wait3A_46 = tpu.memref_slice %arg2[%dma_wait3A_44, %dma_wait3A_45] : memref<20000x64xf32, #tpu.memory_space<hbm>> -> memref<20000x64xf32, #tpu.memory_space<hbm>>
      tpu.wait_indirect_dma semaphore(%arg15 : memref<!tpu.dma_semaphore, #tpu.memory_space<semaphore_mem>>) src(%dma_wait3A_46 : memref<20000x64xf32, #tpu.memory_space<hbm>>) dst(%arg12 : memref<80x64xf32, #tpu.memory_space<vmem>>)
      %run_scoped3A = arith.constant 1 : i32
      "tpu.region"() ({
        %run_scoped3A_82 = tpu.sem_alloc : memref<!tpu.dma_semaphore, #tpu.memory_space<semaphore_mem>>
        %dma_start3A_83 = arith.constant 0 : i32
        %dma_start3A_84 = arith.constant 0 : i32
        %dma_start3A_85 = tpu.memref_slice %arg11[%run_scoped3A, %dma_start3A_83, %dma_start3A_84] : memref<2x250x80xi32, #tpu.memory_space<vmem>> -> memref<1x250x80xi32, #tpu.memory_space<vmem>>
        %dma_start3A_86 = tpu.memref_squeeze %dma_start3A_85 : memref<1x250x80xi32, #tpu.memory_space<vmem>> -> memref<250x80xi32, #tpu.memory_space<vmem>>
        %dma_start3A_87 = arith.constant 0 : i32
        %dma_start3A_88 = tpu.memref_slice %dma_start3A_86[%mul3A_24, %dma_start3A_87] : memref<250x80xi32, #tpu.memory_space<vmem>> -> memref<1x80xi32, #tpu.memory_space<vmem>>
        %dma_start3A_89 = tpu.memref_squeeze %dma_start3A_88 : memref<1x80xi32, #tpu.memory_space<vmem>> -> memref<80xi32, #tpu.memory_space<vmem>>
        %dma_start3A_90 = arith.constant 0 : i32
        %dma_start3A_91 = arith.constant 0 : i32
        %dma_start3A_92 = tpu.memref_slice %arg9[%dma_start3A_90, %dma_start3A_91] : memref<10240x64xf32, #tpu.memory_space<vmem_shared>> -> memref<10240x64xf32, #tpu.memory_space<vmem_shared>>
        tpu.enqueue_indirect_dma source(%arg12 : memref<80x64xf32, #tpu.memory_space<vmem>>) target(%dma_start3A_92 : memref<10240x64xf32, #tpu.memory_space<vmem_shared>>) offsets(%dma_start3A_89 : memref<80xi32, #tpu.memory_space<vmem>>) semaphore(%run_scoped3A_82 : memref<!tpu.dma_semaphore, #tpu.memory_space<semaphore_mem>>) {add = true}
        %dma_wait3A_93 = arith.constant 0 : i32
        %dma_wait3A_94 = arith.constant 0 : i32
        %dma_wait3A_95 = tpu.memref_slice %arg11[%run_scoped3A, %dma_wait3A_93, %dma_wait3A_94] : memref<2x250x80xi32, #tpu.memory_space<vmem>> -> memref<1x250x80xi32, #tpu.memory_space<vmem>>
        %dma_wait3A_96 = tpu.memref_squeeze %dma_wait3A_95 : memref<1x250x80xi32, #tpu.memory_space<vmem>> -> memref<250x80xi32, #tpu.memory_space<vmem>>
        %dma_wait3A_97 = arith.constant 0 : i32
        %dma_wait3A_98 = tpu.memref_slice %dma_wait3A_96[%mul3A_24, %dma_wait3A_97] : memref<250x80xi32, #tpu.memory_space<vmem>> -> memref<1x80xi32, #tpu.memory_space<vmem>>
        %dma_wait3A_99 = tpu.memref_squeeze %dma_wait3A_98 : memref<1x80xi32, #tpu.memory_space<vmem>> -> memref<80xi32, #tpu.memory_space<vmem>>
        %dma_wait3A_100 = arith.constant 0 : i32
        %dma_wait3A_101 = arith.constant 0 : i32
        %dma_wait3A_102 = tpu.memref_slice %arg9[%dma_wait3A_100, %dma_wait3A_101] : memref<10240x64xf32, #tpu.memory_space<vmem_shared>> -> memref<10240x64xf32, #tpu.memory_space<vmem_shared>>
        tpu.wait_indirect_dma semaphore(%run_scoped3A_82 : memref<!tpu.dma_semaphore, #tpu.memory_space<semaphore_mem>>) src(%arg12 : memref<80x64xf32, #tpu.memory_space<vmem>>) dst(%dma_wait3A_102 : memref<10240x64xf32, #tpu.memory_space<vmem_shared>>)
        tpu.yield
      }) : () -> ()
      %eq3A = arith.constant 0 : i32
      %eq3A_47 = arith.cmpi eq, %arg0, %eq3A : i32
      %lt3A = arith.constant 125 : i32
      %lt3A_48 = arith.cmpi slt, %mul3A_24, %lt3A : i32
      %ge3A = arith.constant 125 : i32
      %ge3A_49 = arith.cmpi sge, %mul3A_24, %ge3A : i32
      %select_n3A = arith.select %eq3A_47, %lt3A_48, %ge3A_49 : i1
      %convert_element_type3A = arith.extui %select_n3A : i1 to i32
      %cond3A = arith.constant 0 : i32
      %cond3A_50 = arith.cmpi ne, %convert_element_type3A, %cond3A : i32
      scf.if %cond3A_50 {
        %run_scoped3A_82 = arith.constant 1 : i32
        "tpu.region"() ({
          %run_scoped3A_83 = tpu.sem_alloc : memref<!tpu.dma_semaphore, #tpu.memory_space<semaphore_mem>>
          %dma_start3A_84 = arith.constant 0 : i32
          %dma_start3A_85 = arith.constant 0 : i32
          %dma_start3A_86 = tpu.memref_slice %arg11[%run_scoped3A_82, %dma_start3A_84, %dma_start3A_85] : memref<2x250x80xi32, #tpu.memory_space<vmem>> -> memref<1x250x80xi32, #tpu.memory_space<vmem>>
          %dma_start3A_87 = tpu.memref_squeeze %dma_start3A_86 : memref<1x250x80xi32, #tpu.memory_space<vmem>> -> memref<250x80xi32, #tpu.memory_space<vmem>>
          %dma_start3A_88 = arith.constant 0 : i32
          %dma_start3A_89 = tpu.memref_slice %dma_start3A_87[%mul3A_24, %dma_start3A_88] : memref<250x80xi32, #tpu.memory_space<vmem>> -> memref<1x80xi32, #tpu.memory_space<vmem>>
          %dma_start3A_90 = tpu.memref_squeeze %dma_start3A_89 : memref<1x80xi32, #tpu.memory_space<vmem>> -> memref<80xi32, #tpu.memory_space<vmem>>
          %dma_start3A_91 = arith.constant 0 : i32
          %dma_start3A_92 = arith.constant 0 : i32
          %dma_start3A_93 = tpu.memref_slice %arg10[%dma_start3A_91, %dma_start3A_92] : memref<10240x8xf32, #tpu.memory_space<vmem_shared>> -> memref<10240x8xf32, #tpu.memory_space<vmem_shared>>
          tpu.enqueue_indirect_dma source(%arg14 : memref<80x8xf32, #tpu.memory_space<vmem>>) target(%dma_start3A_93 : memref<10240x8xf32, #tpu.memory_space<vmem_shared>>) offsets(%dma_start3A_90 : memref<80xi32, #tpu.memory_space<vmem>>) semaphore(%run_scoped3A_83 : memref<!tpu.dma_semaphore, #tpu.memory_space<semaphore_mem>>) {add = true}
          %dma_wait3A_94 = arith.constant 0 : i32
          %dma_wait3A_95 = arith.constant 0 : i32
          %dma_wait3A_96 = tpu.memref_slice %arg11[%run_scoped3A_82, %dma_wait3A_94, %dma_wait3A_95] : memref<2x250x80xi32, #tpu.memory_space<vmem>> -> memref<1x250x80xi32, #tpu.memory_space<vmem>>
          %dma_wait3A_97 = tpu.memref_squeeze %dma_wait3A_96 : memref<1x250x80xi32, #tpu.memory_space<vmem>> -> memref<250x80xi32, #tpu.memory_space<vmem>>
          %dma_wait3A_98 = arith.constant 0 : i32
          %dma_wait3A_99 = tpu.memref_slice %dma_wait3A_97[%mul3A_24, %dma_wait3A_98] : memref<250x80xi32, #tpu.memory_space<vmem>> -> memref<1x80xi32, #tpu.memory_space<vmem>>
          %dma_wait3A_100 = tpu.memref_squeeze %dma_wait3A_99 : memref<1x80xi32, #tpu.memory_space<vmem>> -> memref<80xi32, #tpu.memory_space<vmem>>
          %dma_wait3A_101 = arith.constant 0 : i32
          %dma_wait3A_102 = arith.constant 0 : i32
          %dma_wait3A_103 = tpu.memref_slice %arg10[%dma_wait3A_101, %dma_wait3A_102] : memref<10240x8xf32, #tpu.memory_space<vmem_shared>> -> memref<10240x8xf32, #tpu.memory_space<vmem_shared>>
          tpu.wait_indirect_dma semaphore(%run_scoped3A_83 : memref<!tpu.dma_semaphore, #tpu.memory_space<semaphore_mem>>) src(%arg14 : memref<80x8xf32, #tpu.memory_space<vmem>>) dst(%dma_wait3A_103 : memref<10240x8xf32, #tpu.memory_space<vmem_shared>>)
          tpu.yield
        }) : () -> ()
      } else {
      }
      %lt3A_51 = arith.constant 124 : i32
      %lt3A_52 = arith.cmpi slt, %scan3A_22, %lt3A_51 : i32
      %convert_element_type3A_53 = arith.extui %lt3A_52 : i1 to i32
      %cond3A_54 = arith.constant 0 : i32
      %cond3A_55 = arith.cmpi ne, %convert_element_type3A_53, %cond3A_54 : i32
      scf.if %cond3A_55 {
        %add3A_82 = arith.constant 2 : i32
        %add3A_83 = arith.addi %mul3A_24, %add3A_82 : i32
        %dma_start3A_84 = arith.constant 0 : i32
        %dma_start3A_85 = arith.constant 0 : i32
        %dma_start3A_86 = arith.constant 0 : i32
        %dma_start3A_87 = tpu.memref_slice %arg11[%dma_start3A_84, %dma_start3A_85, %dma_start3A_86] : memref<2x250x80xi32, #tpu.memory_space<vmem>> -> memref<1x250x80xi32, #tpu.memory_space<vmem>>
        %dma_start3A_88 = tpu.memref_squeeze %dma_start3A_87 : memref<1x250x80xi32, #tpu.memory_space<vmem>> -> memref<250x80xi32, #tpu.memory_space<vmem>>
        %dma_start3A_89 = arith.constant 0 : i32
        %dma_start3A_90 = tpu.memref_slice %dma_start3A_88[%add3A_83, %dma_start3A_89] : memref<250x80xi32, #tpu.memory_space<vmem>> -> memref<1x80xi32, #tpu.memory_space<vmem>>
        %dma_start3A_91 = tpu.memref_squeeze %dma_start3A_90 : memref<1x80xi32, #tpu.memory_space<vmem>> -> memref<80xi32, #tpu.memory_space<vmem>>
        %dma_start3A_92 = arith.constant 0 : i32
        %dma_start3A_93 = arith.constant 0 : i32
        %dma_start3A_94 = tpu.memref_slice %arg2[%dma_start3A_92, %dma_start3A_93] : memref<20000x64xf32, #tpu.memory_space<hbm>> -> memref<20000x64xf32, #tpu.memory_space<hbm>>
        tpu.enqueue_indirect_dma source(%dma_start3A_94 : memref<20000x64xf32, #tpu.memory_space<hbm>>) target(%arg12 : memref<80x64xf32, #tpu.memory_space<vmem>>) offsets(%dma_start3A_91 : memref<80xi32, #tpu.memory_space<vmem>>) semaphore(%arg15 : memref<!tpu.dma_semaphore, #tpu.memory_space<semaphore_mem>>)
      } else {
      }
      %add3A_56 = arith.constant 1 : i32
      %add3A_57 = arith.addi %mul3A_24, %add3A_56 : i32
      %dma_wait3A_58 = arith.constant 0 : i32
      %dma_wait3A_59 = arith.constant 0 : i32
      %dma_wait3A_60 = arith.constant 0 : i32
      %dma_wait3A_61 = tpu.memref_slice %arg11[%dma_wait3A_58, %dma_wait3A_59, %dma_wait3A_60] : memref<2x250x80xi32, #tpu.memory_space<vmem>> -> memref<1x250x80xi32, #tpu.memory_space<vmem>>
      %dma_wait3A_62 = tpu.memref_squeeze %dma_wait3A_61 : memref<1x250x80xi32, #tpu.memory_space<vmem>> -> memref<250x80xi32, #tpu.memory_space<vmem>>
      %dma_wait3A_63 = arith.constant 0 : i32
      %dma_wait3A_64 = tpu.memref_slice %dma_wait3A_62[%add3A_57, %dma_wait3A_63] : memref<250x80xi32, #tpu.memory_space<vmem>> -> memref<1x80xi32, #tpu.memory_space<vmem>>
      %dma_wait3A_65 = tpu.memref_squeeze %dma_wait3A_64 : memref<1x80xi32, #tpu.memory_space<vmem>> -> memref<80xi32, #tpu.memory_space<vmem>>
      %dma_wait3A_66 = arith.constant 0 : i32
      %dma_wait3A_67 = arith.constant 0 : i32
      %dma_wait3A_68 = tpu.memref_slice %arg2[%dma_wait3A_66, %dma_wait3A_67] : memref<20000x64xf32, #tpu.memory_space<hbm>> -> memref<20000x64xf32, #tpu.memory_space<hbm>>
      tpu.wait_indirect_dma semaphore(%arg16 : memref<!tpu.dma_semaphore, #tpu.memory_space<semaphore_mem>>) src(%dma_wait3A_68 : memref<20000x64xf32, #tpu.memory_space<hbm>>) dst(%arg13 : memref<80x64xf32, #tpu.memory_space<vmem>>)
      %add3A_69 = arith.constant 1 : i32
      %add3A_70 = arith.addi %mul3A_24, %add3A_69 : i32
      %run_scoped3A_71 = arith.constant 1 : i32
      "tpu.region"() ({
        %run_scoped3A_82 = tpu.sem_alloc : memref<!tpu.dma_semaphore, #tpu.memory_space<semaphore_mem>>
        %dma_start3A_83 = arith.constant 0 : i32
        %dma_start3A_84 = arith.constant 0 : i32
        %dma_start3A_85 = tpu.memref_slice %arg11[%run_scoped3A_71, %dma_start3A_83, %dma_start3A_84] : memref<2x250x80xi32, #tpu.memory_space<vmem>> -> memref<1x250x80xi32, #tpu.memory_space<vmem>>
        %dma_start3A_86 = tpu.memref_squeeze %dma_start3A_85 : memref<1x250x80xi32, #tpu.memory_space<vmem>> -> memref<250x80xi32, #tpu.memory_space<vmem>>
        %dma_start3A_87 = arith.constant 0 : i32
        %dma_start3A_88 = tpu.memref_slice %dma_start3A_86[%add3A_70, %dma_start3A_87] : memref<250x80xi32, #tpu.memory_space<vmem>> -> memref<1x80xi32, #tpu.memory_space<vmem>>
        %dma_start3A_89 = tpu.memref_squeeze %dma_start3A_88 : memref<1x80xi32, #tpu.memory_space<vmem>> -> memref<80xi32, #tpu.memory_space<vmem>>
        %dma_start3A_90 = arith.constant 0 : i32
        %dma_start3A_91 = arith.constant 0 : i32
        %dma_start3A_92 = tpu.memref_slice %arg9[%dma_start3A_90, %dma_start3A_91] : memref<10240x64xf32, #tpu.memory_space<vmem_shared>> -> memref<10240x64xf32, #tpu.memory_space<vmem_shared>>
        tpu.enqueue_indirect_dma source(%arg13 : memref<80x64xf32, #tpu.memory_space<vmem>>) target(%dma_start3A_92 : memref<10240x64xf32, #tpu.memory_space<vmem_shared>>) offsets(%dma_start3A_89 : memref<80xi32, #tpu.memory_space<vmem>>) semaphore(%run_scoped3A_82 : memref<!tpu.dma_semaphore, #tpu.memory_space<semaphore_mem>>) {add = true}
        %dma_wait3A_93 = arith.constant 0 : i32
        %dma_wait3A_94 = arith.constant 0 : i32
        %dma_wait3A_95 = tpu.memref_slice %arg11[%run_scoped3A_71, %dma_wait3A_93, %dma_wait3A_94] : memref<2x250x80xi32, #tpu.memory_space<vmem>> -> memref<1x250x80xi32, #tpu.memory_space<vmem>>
        %dma_wait3A_96 = tpu.memref_squeeze %dma_wait3A_95 : memref<1x250x80xi32, #tpu.memory_space<vmem>> -> memref<250x80xi32, #tpu.memory_space<vmem>>
        %dma_wait3A_97 = arith.constant 0 : i32
        %dma_wait3A_98 = tpu.memref_slice %dma_wait3A_96[%add3A_70, %dma_wait3A_97] : memref<250x80xi32, #tpu.memory_space<vmem>> -> memref<1x80xi32, #tpu.memory_space<vmem>>
        %dma_wait3A_99 = tpu.memref_squeeze %dma_wait3A_98 : memref<1x80xi32, #tpu.memory_space<vmem>> -> memref<80xi32, #tpu.memory_space<vmem>>
        %dma_wait3A_100 = arith.constant 0 : i32
        %dma_wait3A_101 = arith.constant 0 : i32
        %dma_wait3A_102 = tpu.memref_slice %arg9[%dma_wait3A_100, %dma_wait3A_101] : memref<10240x64xf32, #tpu.memory_space<vmem_shared>> -> memref<10240x64xf32, #tpu.memory_space<vmem_shared>>
        tpu.wait_indirect_dma semaphore(%run_scoped3A_82 : memref<!tpu.dma_semaphore, #tpu.memory_space<semaphore_mem>>) src(%arg13 : memref<80x64xf32, #tpu.memory_space<vmem>>) dst(%dma_wait3A_102 : memref<10240x64xf32, #tpu.memory_space<vmem_shared>>)
        tpu.yield
      }) : () -> ()
      %eq3A_72 = arith.constant 0 : i32
      %eq3A_73 = arith.cmpi eq, %arg0, %eq3A_72 : i32
      %lt3A_74 = arith.constant 125 : i32
      %lt3A_75 = arith.cmpi slt, %add3A_70, %lt3A_74 : i32
      %ge3A_76 = arith.constant 125 : i32
      %ge3A_77 = arith.cmpi sge, %add3A_70, %ge3A_76 : i32
      %select_n3A_78 = arith.select %eq3A_73, %lt3A_75, %ge3A_77 : i1
      %convert_element_type3A_79 = arith.extui %select_n3A_78 : i1 to i32
      %cond3A_80 = arith.constant 0 : i32
      %cond3A_81 = arith.cmpi ne, %convert_element_type3A_79, %cond3A_80 : i32
      scf.if %cond3A_81 {
        %run_scoped3A_82 = arith.constant 1 : i32
        "tpu.region"() ({
          %run_scoped3A_83 = tpu.sem_alloc : memref<!tpu.dma_semaphore, #tpu.memory_space<semaphore_mem>>
          %dma_start3A_84 = arith.constant 0 : i32
          %dma_start3A_85 = arith.constant 0 : i32
          %dma_start3A_86 = tpu.memref_slice %arg11[%run_scoped3A_82, %dma_start3A_84, %dma_start3A_85] : memref<2x250x80xi32, #tpu.memory_space<vmem>> -> memref<1x250x80xi32, #tpu.memory_space<vmem>>
          %dma_start3A_87 = tpu.memref_squeeze %dma_start3A_86 : memref<1x250x80xi32, #tpu.memory_space<vmem>> -> memref<250x80xi32, #tpu.memory_space<vmem>>
          %dma_start3A_88 = arith.constant 0 : i32
          %dma_start3A_89 = tpu.memref_slice %dma_start3A_87[%add3A_70, %dma_start3A_88] : memref<250x80xi32, #tpu.memory_space<vmem>> -> memref<1x80xi32, #tpu.memory_space<vmem>>
          %dma_start3A_90 = tpu.memref_squeeze %dma_start3A_89 : memref<1x80xi32, #tpu.memory_space<vmem>> -> memref<80xi32, #tpu.memory_space<vmem>>
          %dma_start3A_91 = arith.constant 0 : i32
          %dma_start3A_92 = arith.constant 0 : i32
          %dma_start3A_93 = tpu.memref_slice %arg10[%dma_start3A_91, %dma_start3A_92] : memref<10240x8xf32, #tpu.memory_space<vmem_shared>> -> memref<10240x8xf32, #tpu.memory_space<vmem_shared>>
          tpu.enqueue_indirect_dma source(%arg14 : memref<80x8xf32, #tpu.memory_space<vmem>>) target(%dma_start3A_93 : memref<10240x8xf32, #tpu.memory_space<vmem_shared>>) offsets(%dma_start3A_90 : memref<80xi32, #tpu.memory_space<vmem>>) semaphore(%run_scoped3A_83 : memref<!tpu.dma_semaphore, #tpu.memory_space<semaphore_mem>>) {add = true}
          %dma_wait3A_94 = arith.constant 0 : i32
          %dma_wait3A_95 = arith.constant 0 : i32
          %dma_wait3A_96 = tpu.memref_slice %arg11[%run_scoped3A_82, %dma_wait3A_94, %dma_wait3A_95] : memref<2x250x80xi32, #tpu.memory_space<vmem>> -> memref<1x250x80xi32, #tpu.memory_space<vmem>>
          %dma_wait3A_97 = tpu.memref_squeeze %dma_wait3A_96 : memref<1x250x80xi32, #tpu.memory_space<vmem>> -> memref<250x80xi32, #tpu.memory_space<vmem>>
          %dma_wait3A_98 = arith.constant 0 : i32
          %dma_wait3A_99 = tpu.memref_slice %dma_wait3A_97[%add3A_70, %dma_wait3A_98] : memref<250x80xi32, #tpu.memory_space<vmem>> -> memref<1x80xi32, #tpu.memory_space<vmem>>
          %dma_wait3A_100 = tpu.memref_squeeze %dma_wait3A_99 : memref<1x80xi32, #tpu.memory_space<vmem>> -> memref<80xi32, #tpu.memory_space<vmem>>
          %dma_wait3A_101 = arith.constant 0 : i32
          %dma_wait3A_102 = arith.constant 0 : i32
          %dma_wait3A_103 = tpu.memref_slice %arg10[%dma_wait3A_101, %dma_wait3A_102] : memref<10240x8xf32, #tpu.memory_space<vmem_shared>> -> memref<10240x8xf32, #tpu.memory_space<vmem_shared>>
          tpu.wait_indirect_dma semaphore(%run_scoped3A_83 : memref<!tpu.dma_semaphore, #tpu.memory_space<semaphore_mem>>) src(%arg14 : memref<80x8xf32, #tpu.memory_space<vmem>>) dst(%dma_wait3A_103 : memref<10240x8xf32, #tpu.memory_space<vmem_shared>>)
          tpu.yield
        }) : () -> ()
      } else {
      }
    }
    %scan3A_16 = arith.constant 125 : i32
    %barrier3A_17 = arith.constant 0 : index
    tpu.barrier barrier_id(%barrier3A_17)
    %mul3A_18 = arith.constant 64 : i32
    %mul3A_19 = arith.muli %arg0, %mul3A_18 : i32
    "tpu.region"() ({
      %run_scoped3A = tpu.sem_alloc : memref<!tpu.dma_semaphore, #tpu.memory_space<semaphore_mem>>
      %dma_start3A_22 = tpu.memref_slice %arg7[%mul3A_0, %mul3A_19] : memref<10240x128xf32, #tpu.memory_space<hbm>> -> memref<640x64xf32, #tpu.memory_space<hbm>>
      %dma_start3A_23 = arith.constant 0 : i32
      %dma_start3A_24 = tpu.memref_slice %arg9[%mul3A_0, %dma_start3A_23] : memref<10240x64xf32, #tpu.memory_space<vmem_shared>> -> memref<640x64xf32, #tpu.memory_space<vmem_shared>>
      tpu.enqueue_dma source(%dma_start3A_24 : memref<640x64xf32, #tpu.memory_space<vmem_shared>>) target(%dma_start3A_22 : memref<640x64xf32, #tpu.memory_space<hbm>>) target_semaphore(%run_scoped3A : memref<!tpu.dma_semaphore, #tpu.memory_space<semaphore_mem>>)
      %dma_wait3A = tpu.memref_slice %arg7[%mul3A_0, %mul3A_19] : memref<10240x128xf32, #tpu.memory_space<hbm>> -> memref<640x64xf32, #tpu.memory_space<hbm>>
      %dma_wait3A_25 = arith.constant 0 : i32
      %dma_wait3A_26 = tpu.memref_slice %arg9[%mul3A_0, %dma_wait3A_25] : memref<10240x64xf32, #tpu.memory_space<vmem_shared>> -> memref<640x64xf32, #tpu.memory_space<vmem_shared>>
      tpu.wait_dma2 semaphore(%run_scoped3A : memref<!tpu.dma_semaphore, #tpu.memory_space<semaphore_mem>>) src(%dma_wait3A_26 : memref<640x64xf32, #tpu.memory_space<vmem_shared>>) dst(%dma_wait3A : memref<640x64xf32, #tpu.memory_space<hbm>>)
      tpu.yield
    }) : () -> ()
    %mul3A_20 = arith.constant 8 : i32
    %mul3A_21 = arith.muli %arg0, %mul3A_20 : i32
    "tpu.region"() ({
      %run_scoped3A = tpu.sem_alloc : memref<!tpu.dma_semaphore, #tpu.memory_space<semaphore_mem>>
      %dma_start3A_22 = tpu.memref_slice %arg8[%mul3A_0, %mul3A_21] : memref<10240x128xf32, #tpu.memory_space<hbm>> -> memref<640x8xf32, #tpu.memory_space<hbm>>
      %dma_start3A_23 = arith.constant 0 : i32
      %dma_start3A_24 = tpu.memref_slice %arg10[%mul3A_0, %dma_start3A_23] : memref<10240x8xf32, #tpu.memory_space<vmem_shared>> -> memref<640x8xf32, #tpu.memory_space<vmem_shared>>
      tpu.enqueue_dma source(%dma_start3A_24 : memref<640x8xf32, #tpu.memory_space<vmem_shared>>) target(%dma_start3A_22 : memref<640x8xf32, #tpu.memory_space<hbm>>) target_semaphore(%run_scoped3A : memref<!tpu.dma_semaphore, #tpu.memory_space<semaphore_mem>>)
      %dma_wait3A = tpu.memref_slice %arg8[%mul3A_0, %mul3A_21] : memref<10240x128xf32, #tpu.memory_space<hbm>> -> memref<640x8xf32, #tpu.memory_space<hbm>>
      %dma_wait3A_25 = arith.constant 0 : i32
      %dma_wait3A_26 = tpu.memref_slice %arg10[%mul3A_0, %dma_wait3A_25] : memref<10240x8xf32, #tpu.memory_space<vmem_shared>> -> memref<640x8xf32, #tpu.memory_space<vmem_shared>>
      tpu.wait_dma2 semaphore(%run_scoped3A : memref<!tpu.dma_semaphore, #tpu.memory_space<semaphore_mem>>) src(%dma_wait3A_26 : memref<640x8xf32, #tpu.memory_space<vmem_shared>>) dst(%dma_wait3A : memref<640x8xf32, #tpu.memory_space<hbm>>)
      tpu.yield
    }) : () -> ()
    return
  }
}

#map = affine_map<(d0, d1) -> (0, 0)>
#map1 = affine_map<(d0, d1) -> (0, 0, 0, 0, 0)>
module attributes {stable_mosaic.version = 14 : i64} {
  func.func @body(%arg0: i32, %arg1: i32, %arg2: memref<20000x64xf32, #tpu.memory_space<hbm>>, %arg3: memref<2x16x2x250x80xi32, #tpu.memory_space<hbm>>, %arg4: memref<640x64xf32, #tpu.memory_space<hbm>>, %arg5: memref<10240x128xf32, #tpu.memory_space<hbm>>, %arg6: memref<10240x64xf32, #tpu.memory_space<vmem_shared>>, %arg7: memref<2x250x80xi32, #tpu.memory_space<vmem>>, %arg8: memref<80x64xf32, #tpu.memory_space<vmem>>, %arg9: memref<80x64xf32, #tpu.memory_space<vmem>>, %arg10: memref<!tpu.dma_semaphore, #tpu.memory_space<semaphore_mem>>, %arg11: memref<!tpu.dma_semaphore, #tpu.memory_space<semaphore_mem>>) attributes {dimension_semantics = [#tpu.dimension_semantics<core_parallel>, #tpu.dimension_semantics<subcore_parallel>], iteration_bounds = array<i64: 2, 16>, scalar_prefetch = 0 : i64, scratch_operands = 6 : i64, tpu.core_type = #tpu.core_type<sc_vector_subcore>, window_params = [{transform_indices = #map}, {transform_indices = #map1}, {transform_indices = #map}, {transform_indices = #map}]} {
    %mul3A = arith.constant 640 : i32
    %mul3A_0 = arith.muli %arg1, %mul3A : i32
    "tpu.region"() ({
      %run_scoped3A = tpu.sem_alloc : memref<!tpu.dma_semaphore, #tpu.memory_space<semaphore_mem>>
      %dma_start3A_20 = arith.constant 0 : i32
      %dma_start3A_21 = arith.constant 0 : i32
      %dma_start3A_22 = arith.constant 0 : i32
      %dma_start3A_23 = arith.constant 0 : i32
      %dma_start3A_24 = tpu.memref_slice %arg3[%arg0, %dma_start3A_20, %dma_start3A_21, %dma_start3A_22, %dma_start3A_23] : memref<2x16x2x250x80xi32, #tpu.memory_space<hbm>> -> memref<1x16x2x250x80xi32, #tpu.memory_space<hbm>>
      %dma_start3A_25 = tpu.memref_squeeze %dma_start3A_24 : memref<1x16x2x250x80xi32, #tpu.memory_space<hbm>> -> memref<16x2x250x80xi32, #tpu.memory_space<hbm>>
      %dma_start3A_26 = arith.constant 0 : i32
      %dma_start3A_27 = arith.constant 0 : i32
      %dma_start3A_28 = arith.constant 0 : i32
      %dma_start3A_29 = tpu.memref_slice %dma_start3A_25[%arg1, %dma_start3A_26, %dma_start3A_27, %dma_start3A_28] : memref<16x2x250x80xi32, #tpu.memory_space<hbm>> -> memref<1x2x250x80xi32, #tpu.memory_space<hbm>>
      %dma_start3A_30 = tpu.memref_squeeze %dma_start3A_29 : memref<1x2x250x80xi32, #tpu.memory_space<hbm>> -> memref<2x250x80xi32, #tpu.memory_space<hbm>>
      %dma_start3A_31 = arith.constant 0 : i32
      %dma_start3A_32 = arith.constant 0 : i32
      %dma_start3A_33 = arith.constant 0 : i32
      %dma_start3A_34 = arith.constant 0 : i32
      %dma_start3A_35 = tpu.memref_slice %arg3[%arg0, %dma_start3A_31, %dma_start3A_32, %dma_start3A_33, %dma_start3A_34] : memref<2x16x2x250x80xi32, #tpu.memory_space<hbm>> -> memref<1x16x2x250x80xi32, #tpu.memory_space<hbm>>
      %dma_start3A_36 = tpu.memref_squeeze %dma_start3A_35 : memref<1x16x2x250x80xi32, #tpu.memory_space<hbm>> -> memref<16x2x250x80xi32, #tpu.memory_space<hbm>>
      %dma_start3A_37 = arith.constant 0 : i32
      %dma_start3A_38 = arith.constant 0 : i32
      %dma_start3A_39 = arith.constant 0 : i32
      %dma_start3A_40 = tpu.memref_slice %dma_start3A_36[%arg1, %dma_start3A_37, %dma_start3A_38, %dma_start3A_39] : memref<16x2x250x80xi32, #tpu.memory_space<hbm>> -> memref<1x2x250x80xi32, #tpu.memory_space<hbm>>
      %dma_start3A_41 = tpu.memref_squeeze %dma_start3A_40 : memref<1x2x250x80xi32, #tpu.memory_space<hbm>> -> memref<2x250x80xi32, #tpu.memory_space<hbm>>
      tpu.enqueue_dma source(%dma_start3A_41 : memref<2x250x80xi32, #tpu.memory_space<hbm>>) target(%arg7 : memref<2x250x80xi32, #tpu.memory_space<vmem>>) target_semaphore(%run_scoped3A : memref<!tpu.dma_semaphore, #tpu.memory_space<semaphore_mem>>)
      %dma_wait3A = arith.constant 0 : i32
      %dma_wait3A_42 = arith.constant 0 : i32
      %dma_wait3A_43 = arith.constant 0 : i32
      %dma_wait3A_44 = arith.constant 0 : i32
      %dma_wait3A_45 = tpu.memref_slice %arg3[%arg0, %dma_wait3A, %dma_wait3A_42, %dma_wait3A_43, %dma_wait3A_44] : memref<2x16x2x250x80xi32, #tpu.memory_space<hbm>> -> memref<1x16x2x250x80xi32, #tpu.memory_space<hbm>>
      %dma_wait3A_46 = tpu.memref_squeeze %dma_wait3A_45 : memref<1x16x2x250x80xi32, #tpu.memory_space<hbm>> -> memref<16x2x250x80xi32, #tpu.memory_space<hbm>>
      %dma_wait3A_47 = arith.constant 0 : i32
      %dma_wait3A_48 = arith.constant 0 : i32
      %dma_wait3A_49 = arith.constant 0 : i32
      %dma_wait3A_50 = tpu.memref_slice %dma_wait3A_46[%arg1, %dma_wait3A_47, %dma_wait3A_48, %dma_wait3A_49] : memref<16x2x250x80xi32, #tpu.memory_space<hbm>> -> memref<1x2x250x80xi32, #tpu.memory_space<hbm>>
      %dma_wait3A_51 = tpu.memref_squeeze %dma_wait3A_50 : memref<1x2x250x80xi32, #tpu.memory_space<hbm>> -> memref<2x250x80xi32, #tpu.memory_space<hbm>>
      %dma_wait3A_52 = arith.constant 0 : i32
      %dma_wait3A_53 = arith.constant 0 : i32
      %dma_wait3A_54 = arith.constant 0 : i32
      %dma_wait3A_55 = arith.constant 0 : i32
      %dma_wait3A_56 = tpu.memref_slice %arg3[%arg0, %dma_wait3A_52, %dma_wait3A_53, %dma_wait3A_54, %dma_wait3A_55] : memref<2x16x2x250x80xi32, #tpu.memory_space<hbm>> -> memref<1x16x2x250x80xi32, #tpu.memory_space<hbm>>
      %dma_wait3A_57 = tpu.memref_squeeze %dma_wait3A_56 : memref<1x16x2x250x80xi32, #tpu.memory_space<hbm>> -> memref<16x2x250x80xi32, #tpu.memory_space<hbm>>
      %dma_wait3A_58 = arith.constant 0 : i32
      %dma_wait3A_59 = arith.constant 0 : i32
      %dma_wait3A_60 = arith.constant 0 : i32
      %dma_wait3A_61 = tpu.memref_slice %dma_wait3A_57[%arg1, %dma_wait3A_58, %dma_wait3A_59, %dma_wait3A_60] : memref<16x2x250x80xi32, #tpu.memory_space<hbm>> -> memref<1x2x250x80xi32, #tpu.memory_space<hbm>>
      %dma_wait3A_62 = tpu.memref_squeeze %dma_wait3A_61 : memref<1x2x250x80xi32, #tpu.memory_space<hbm>> -> memref<2x250x80xi32, #tpu.memory_space<hbm>>
      tpu.wait_dma2 semaphore(%run_scoped3A : memref<!tpu.dma_semaphore, #tpu.memory_space<semaphore_mem>>) src(%dma_wait3A_62 : memref<2x250x80xi32, #tpu.memory_space<hbm>>) dst(%arg7 : memref<2x250x80xi32, #tpu.memory_space<vmem>>)
      tpu.yield
    }) : () -> ()
    "tpu.region"() ({
      %run_scoped3A = tpu.sem_alloc : memref<!tpu.dma_semaphore, #tpu.memory_space<semaphore_mem>>
      %dma_start3A_20 = arith.constant 0 : i32
      %dma_start3A_21 = tpu.memref_slice %arg6[%mul3A_0, %dma_start3A_20] : memref<10240x64xf32, #tpu.memory_space<vmem_shared>> -> memref<640x64xf32, #tpu.memory_space<vmem_shared>>
      tpu.enqueue_dma source(%arg4 : memref<640x64xf32, #tpu.memory_space<hbm>>) target(%dma_start3A_21 : memref<640x64xf32, #tpu.memory_space<vmem_shared>>) target_semaphore(%run_scoped3A : memref<!tpu.dma_semaphore, #tpu.memory_space<semaphore_mem>>)
      %dma_wait3A = arith.constant 0 : i32
      %dma_wait3A_22 = tpu.memref_slice %arg6[%mul3A_0, %dma_wait3A] : memref<10240x64xf32, #tpu.memory_space<vmem_shared>> -> memref<640x64xf32, #tpu.memory_space<vmem_shared>>
      tpu.wait_dma2 semaphore(%run_scoped3A : memref<!tpu.dma_semaphore, #tpu.memory_space<semaphore_mem>>) src(%arg4 : memref<640x64xf32, #tpu.memory_space<hbm>>) dst(%dma_wait3A_22 : memref<640x64xf32, #tpu.memory_space<vmem_shared>>)
      tpu.yield
    }) : () -> ()
    %barrier3A = arith.constant 0 : index
    tpu.barrier barrier_id(%barrier3A)
    %dma_start3A = arith.constant 0 : i32
    %dma_start3A_1 = arith.constant 0 : i32
    %dma_start3A_2 = arith.constant 0 : i32
    %dma_start3A_3 = arith.constant 0 : i32
    %dma_start3A_4 = tpu.memref_slice %arg7[%dma_start3A, %dma_start3A_2, %dma_start3A_3] : memref<2x250x80xi32, #tpu.memory_space<vmem>> -> memref<1x250x80xi32, #tpu.memory_space<vmem>>
    %dma_start3A_5 = tpu.memref_squeeze %dma_start3A_4 : memref<1x250x80xi32, #tpu.memory_space<vmem>> -> memref<250x80xi32, #tpu.memory_space<vmem>>
    %dma_start3A_6 = arith.constant 0 : i32
    %dma_start3A_7 = tpu.memref_slice %dma_start3A_5[%dma_start3A_1, %dma_start3A_6] : memref<250x80xi32, #tpu.memory_space<vmem>> -> memref<1x80xi32, #tpu.memory_space<vmem>>
    %dma_start3A_8 = tpu.memref_squeeze %dma_start3A_7 : memref<1x80xi32, #tpu.memory_space<vmem>> -> memref<80xi32, #tpu.memory_space<vmem>>
    %dma_start3A_9 = arith.constant 0 : i32
    %dma_start3A_10 = arith.constant 0 : i32
    %dma_start3A_11 = tpu.memref_slice %arg2[%dma_start3A_9, %dma_start3A_10] : memref<20000x64xf32, #tpu.memory_space<hbm>> -> memref<20000x64xf32, #tpu.memory_space<hbm>>
    tpu.enqueue_indirect_dma source(%dma_start3A_11 : memref<20000x64xf32, #tpu.memory_space<hbm>>) target(%arg8 : memref<80x64xf32, #tpu.memory_space<vmem>>) offsets(%dma_start3A_8 : memref<80xi32, #tpu.memory_space<vmem>>) semaphore(%arg10 : memref<!tpu.dma_semaphore, #tpu.memory_space<semaphore_mem>>)
    %scan3A = arith.constant 0 : i32
    %scan3A_12 = arith.constant 0 : i32
    %scan3A_13 = arith.constant 125 : i32
    %scan3A_14 = arith.addi %scan3A_12, %scan3A_13 : i32
    %scan3A_15 = arith.constant 1 : i32
    scf.for %scan3A_20 = %scan3A_12 to %scan3A_14 step %scan3A_15  : i32 {
      %mul3A_21 = arith.constant 2 : i32
      %mul3A_22 = arith.muli %mul3A_21, %scan3A_20 : i32
      %add3A = arith.constant 1 : i32
      %add3A_23 = arith.addi %mul3A_22, %add3A : i32
      %dma_start3A_24 = arith.constant 0 : i32
      %dma_start3A_25 = arith.constant 0 : i32
      %dma_start3A_26 = arith.constant 0 : i32
      %dma_start3A_27 = tpu.memref_slice %arg7[%dma_start3A_24, %dma_start3A_25, %dma_start3A_26] : memref<2x250x80xi32, #tpu.memory_space<vmem>> -> memref<1x250x80xi32, #tpu.memory_space<vmem>>
      %dma_start3A_28 = tpu.memref_squeeze %dma_start3A_27 : memref<1x250x80xi32, #tpu.memory_space<vmem>> -> memref<250x80xi32, #tpu.memory_space<vmem>>
      %dma_start3A_29 = arith.constant 0 : i32
      %dma_start3A_30 = tpu.memref_slice %dma_start3A_28[%add3A_23, %dma_start3A_29] : memref<250x80xi32, #tpu.memory_space<vmem>> -> memref<1x80xi32, #tpu.memory_space<vmem>>
      %dma_start3A_31 = tpu.memref_squeeze %dma_start3A_30 : memref<1x80xi32, #tpu.memory_space<vmem>> -> memref<80xi32, #tpu.memory_space<vmem>>
      %dma_start3A_32 = arith.constant 0 : i32
      %dma_start3A_33 = arith.constant 0 : i32
      %dma_start3A_34 = tpu.memref_slice %arg2[%dma_start3A_32, %dma_start3A_33] : memref<20000x64xf32, #tpu.memory_space<hbm>> -> memref<20000x64xf32, #tpu.memory_space<hbm>>
      tpu.enqueue_indirect_dma source(%dma_start3A_34 : memref<20000x64xf32, #tpu.memory_space<hbm>>) target(%arg9 : memref<80x64xf32, #tpu.memory_space<vmem>>) offsets(%dma_start3A_31 : memref<80xi32, #tpu.memory_space<vmem>>) semaphore(%arg11 : memref<!tpu.dma_semaphore, #tpu.memory_space<semaphore_mem>>)
      %dma_wait3A = arith.constant 0 : i32
      %dma_wait3A_35 = arith.constant 0 : i32
      %dma_wait3A_36 = arith.constant 0 : i32
      %dma_wait3A_37 = tpu.memref_slice %arg7[%dma_wait3A, %dma_wait3A_35, %dma_wait3A_36] : memref<2x250x80xi32, #tpu.memory_space<vmem>> -> memref<1x250x80xi32, #tpu.memory_space<vmem>>
      %dma_wait3A_38 = tpu.memref_squeeze %dma_wait3A_37 : memref<1x250x80xi32, #tpu.memory_space<vmem>> -> memref<250x80xi32, #tpu.memory_space<vmem>>
      %dma_wait3A_39 = arith.constant 0 : i32
      %dma_wait3A_40 = tpu.memref_slice %dma_wait3A_38[%mul3A_22, %dma_wait3A_39] : memref<250x80xi32, #tpu.memory_space<vmem>> -> memref<1x80xi32, #tpu.memory_space<vmem>>
      %dma_wait3A_41 = tpu.memref_squeeze %dma_wait3A_40 : memref<1x80xi32, #tpu.memory_space<vmem>> -> memref<80xi32, #tpu.memory_space<vmem>>
      %dma_wait3A_42 = arith.constant 0 : i32
      %dma_wait3A_43 = arith.constant 0 : i32
      %dma_wait3A_44 = tpu.memref_slice %arg2[%dma_wait3A_42, %dma_wait3A_43] : memref<20000x64xf32, #tpu.memory_space<hbm>> -> memref<20000x64xf32, #tpu.memory_space<hbm>>
      tpu.wait_indirect_dma semaphore(%arg10 : memref<!tpu.dma_semaphore, #tpu.memory_space<semaphore_mem>>) src(%dma_wait3A_44 : memref<20000x64xf32, #tpu.memory_space<hbm>>) dst(%arg8 : memref<80x64xf32, #tpu.memory_space<vmem>>)
      %run_scoped3A = arith.constant 1 : i32
      "tpu.region"() ({
        %run_scoped3A_63 = tpu.sem_alloc : memref<!tpu.dma_semaphore, #tpu.memory_space<semaphore_mem>>
        %dma_start3A_64 = arith.constant 0 : i32
        %dma_start3A_65 = arith.constant 0 : i32
        %dma_start3A_66 = tpu.memref_slice %arg7[%run_scoped3A, %dma_start3A_64, %dma_start3A_65] : memref<2x250x80xi32, #tpu.memory_space<vmem>> -> memref<1x250x80xi32, #tpu.memory_space<vmem>>
        %dma_start3A_67 = tpu.memref_squeeze %dma_start3A_66 : memref<1x250x80xi32, #tpu.memory_space<vmem>> -> memref<250x80xi32, #tpu.memory_space<vmem>>
        %dma_start3A_68 = arith.constant 0 : i32
        %dma_start3A_69 = tpu.memref_slice %dma_start3A_67[%mul3A_22, %dma_start3A_68] : memref<250x80xi32, #tpu.memory_space<vmem>> -> memref<1x80xi32, #tpu.memory_space<vmem>>
        %dma_start3A_70 = tpu.memref_squeeze %dma_start3A_69 : memref<1x80xi32, #tpu.memory_space<vmem>> -> memref<80xi32, #tpu.memory_space<vmem>>
        %dma_start3A_71 = arith.constant 0 : i32
        %dma_start3A_72 = arith.constant 0 : i32
        %dma_start3A_73 = tpu.memref_slice %arg6[%dma_start3A_71, %dma_start3A_72] : memref<10240x64xf32, #tpu.memory_space<vmem_shared>> -> memref<10240x64xf32, #tpu.memory_space<vmem_shared>>
        tpu.enqueue_indirect_dma source(%arg8 : memref<80x64xf32, #tpu.memory_space<vmem>>) target(%dma_start3A_73 : memref<10240x64xf32, #tpu.memory_space<vmem_shared>>) offsets(%dma_start3A_70 : memref<80xi32, #tpu.memory_space<vmem>>) semaphore(%run_scoped3A_63 : memref<!tpu.dma_semaphore, #tpu.memory_space<semaphore_mem>>) {add = true}
        %dma_wait3A_74 = arith.constant 0 : i32
        %dma_wait3A_75 = arith.constant 0 : i32
        %dma_wait3A_76 = tpu.memref_slice %arg7[%run_scoped3A, %dma_wait3A_74, %dma_wait3A_75] : memref<2x250x80xi32, #tpu.memory_space<vmem>> -> memref<1x250x80xi32, #tpu.memory_space<vmem>>
        %dma_wait3A_77 = tpu.memref_squeeze %dma_wait3A_76 : memref<1x250x80xi32, #tpu.memory_space<vmem>> -> memref<250x80xi32, #tpu.memory_space<vmem>>
        %dma_wait3A_78 = arith.constant 0 : i32
        %dma_wait3A_79 = tpu.memref_slice %dma_wait3A_77[%mul3A_22, %dma_wait3A_78] : memref<250x80xi32, #tpu.memory_space<vmem>> -> memref<1x80xi32, #tpu.memory_space<vmem>>
        %dma_wait3A_80 = tpu.memref_squeeze %dma_wait3A_79 : memref<1x80xi32, #tpu.memory_space<vmem>> -> memref<80xi32, #tpu.memory_space<vmem>>
        %dma_wait3A_81 = arith.constant 0 : i32
        %dma_wait3A_82 = arith.constant 0 : i32
        %dma_wait3A_83 = tpu.memref_slice %arg6[%dma_wait3A_81, %dma_wait3A_82] : memref<10240x64xf32, #tpu.memory_space<vmem_shared>> -> memref<10240x64xf32, #tpu.memory_space<vmem_shared>>
        tpu.wait_indirect_dma semaphore(%run_scoped3A_63 : memref<!tpu.dma_semaphore, #tpu.memory_space<semaphore_mem>>) src(%arg8 : memref<80x64xf32, #tpu.memory_space<vmem>>) dst(%dma_wait3A_83 : memref<10240x64xf32, #tpu.memory_space<vmem_shared>>)
        tpu.yield
      }) : () -> ()
      %lt3A = arith.constant 124 : i32
      %lt3A_45 = arith.cmpi slt, %scan3A_20, %lt3A : i32
      %convert_element_type3A = arith.extui %lt3A_45 : i1 to i32
      %cond3A = arith.constant 0 : i32
      %cond3A_46 = arith.cmpi ne, %convert_element_type3A, %cond3A : i32
      scf.if %cond3A_46 {
        %add3A_63 = arith.constant 2 : i32
        %add3A_64 = arith.addi %mul3A_22, %add3A_63 : i32
        %dma_start3A_65 = arith.constant 0 : i32
        %dma_start3A_66 = arith.constant 0 : i32
        %dma_start3A_67 = arith.constant 0 : i32
        %dma_start3A_68 = tpu.memref_slice %arg7[%dma_start3A_65, %dma_start3A_66, %dma_start3A_67] : memref<2x250x80xi32, #tpu.memory_space<vmem>> -> memref<1x250x80xi32, #tpu.memory_space<vmem>>
        %dma_start3A_69 = tpu.memref_squeeze %dma_start3A_68 : memref<1x250x80xi32, #tpu.memory_space<vmem>> -> memref<250x80xi32, #tpu.memory_space<vmem>>
        %dma_start3A_70 = arith.constant 0 : i32
        %dma_start3A_71 = tpu.memref_slice %dma_start3A_69[%add3A_64, %dma_start3A_70] : memref<250x80xi32, #tpu.memory_space<vmem>> -> memref<1x80xi32, #tpu.memory_space<vmem>>
        %dma_start3A_72 = tpu.memref_squeeze %dma_start3A_71 : memref<1x80xi32, #tpu.memory_space<vmem>> -> memref<80xi32, #tpu.memory_space<vmem>>
        %dma_start3A_73 = arith.constant 0 : i32
        %dma_start3A_74 = arith.constant 0 : i32
        %dma_start3A_75 = tpu.memref_slice %arg2[%dma_start3A_73, %dma_start3A_74] : memref<20000x64xf32, #tpu.memory_space<hbm>> -> memref<20000x64xf32, #tpu.memory_space<hbm>>
        tpu.enqueue_indirect_dma source(%dma_start3A_75 : memref<20000x64xf32, #tpu.memory_space<hbm>>) target(%arg8 : memref<80x64xf32, #tpu.memory_space<vmem>>) offsets(%dma_start3A_72 : memref<80xi32, #tpu.memory_space<vmem>>) semaphore(%arg10 : memref<!tpu.dma_semaphore, #tpu.memory_space<semaphore_mem>>)
      } else {
      }
      %add3A_47 = arith.constant 1 : i32
      %add3A_48 = arith.addi %mul3A_22, %add3A_47 : i32
      %dma_wait3A_49 = arith.constant 0 : i32
      %dma_wait3A_50 = arith.constant 0 : i32
      %dma_wait3A_51 = arith.constant 0 : i32
      %dma_wait3A_52 = tpu.memref_slice %arg7[%dma_wait3A_49, %dma_wait3A_50, %dma_wait3A_51] : memref<2x250x80xi32, #tpu.memory_space<vmem>> -> memref<1x250x80xi32, #tpu.memory_space<vmem>>
      %dma_wait3A_53 = tpu.memref_squeeze %dma_wait3A_52 : memref<1x250x80xi32, #tpu.memory_space<vmem>> -> memref<250x80xi32, #tpu.memory_space<vmem>>
      %dma_wait3A_54 = arith.constant 0 : i32
      %dma_wait3A_55 = tpu.memref_slice %dma_wait3A_53[%add3A_48, %dma_wait3A_54] : memref<250x80xi32, #tpu.memory_space<vmem>> -> memref<1x80xi32, #tpu.memory_space<vmem>>
      %dma_wait3A_56 = tpu.memref_squeeze %dma_wait3A_55 : memref<1x80xi32, #tpu.memory_space<vmem>> -> memref<80xi32, #tpu.memory_space<vmem>>
      %dma_wait3A_57 = arith.constant 0 : i32
      %dma_wait3A_58 = arith.constant 0 : i32
      %dma_wait3A_59 = tpu.memref_slice %arg2[%dma_wait3A_57, %dma_wait3A_58] : memref<20000x64xf32, #tpu.memory_space<hbm>> -> memref<20000x64xf32, #tpu.memory_space<hbm>>
      tpu.wait_indirect_dma semaphore(%arg11 : memref<!tpu.dma_semaphore, #tpu.memory_space<semaphore_mem>>) src(%dma_wait3A_59 : memref<20000x64xf32, #tpu.memory_space<hbm>>) dst(%arg9 : memref<80x64xf32, #tpu.memory_space<vmem>>)
      %add3A_60 = arith.constant 1 : i32
      %add3A_61 = arith.addi %mul3A_22, %add3A_60 : i32
      %run_scoped3A_62 = arith.constant 1 : i32
      "tpu.region"() ({
        %run_scoped3A_63 = tpu.sem_alloc : memref<!tpu.dma_semaphore, #tpu.memory_space<semaphore_mem>>
        %dma_start3A_64 = arith.constant 0 : i32
        %dma_start3A_65 = arith.constant 0 : i32
        %dma_start3A_66 = tpu.memref_slice %arg7[%run_scoped3A_62, %dma_start3A_64, %dma_start3A_65] : memref<2x250x80xi32, #tpu.memory_space<vmem>> -> memref<1x250x80xi32, #tpu.memory_space<vmem>>
        %dma_start3A_67 = tpu.memref_squeeze %dma_start3A_66 : memref<1x250x80xi32, #tpu.memory_space<vmem>> -> memref<250x80xi32, #tpu.memory_space<vmem>>
        %dma_start3A_68 = arith.constant 0 : i32
        %dma_start3A_69 = tpu.memref_slice %dma_start3A_67[%add3A_61, %dma_start3A_68] : memref<250x80xi32, #tpu.memory_space<vmem>> -> memref<1x80xi32, #tpu.memory_space<vmem>>
        %dma_start3A_70 = tpu.memref_squeeze %dma_start3A_69 : memref<1x80xi32, #tpu.memory_space<vmem>> -> memref<80xi32, #tpu.memory_space<vmem>>
        %dma_start3A_71 = arith.constant 0 : i32
        %dma_start3A_72 = arith.constant 0 : i32
        %dma_start3A_73 = tpu.memref_slice %arg6[%dma_start3A_71, %dma_start3A_72] : memref<10240x64xf32, #tpu.memory_space<vmem_shared>> -> memref<10240x64xf32, #tpu.memory_space<vmem_shared>>
        tpu.enqueue_indirect_dma source(%arg9 : memref<80x64xf32, #tpu.memory_space<vmem>>) target(%dma_start3A_73 : memref<10240x64xf32, #tpu.memory_space<vmem_shared>>) offsets(%dma_start3A_70 : memref<80xi32, #tpu.memory_space<vmem>>) semaphore(%run_scoped3A_63 : memref<!tpu.dma_semaphore, #tpu.memory_space<semaphore_mem>>) {add = true}
        %dma_wait3A_74 = arith.constant 0 : i32
        %dma_wait3A_75 = arith.constant 0 : i32
        %dma_wait3A_76 = tpu.memref_slice %arg7[%run_scoped3A_62, %dma_wait3A_74, %dma_wait3A_75] : memref<2x250x80xi32, #tpu.memory_space<vmem>> -> memref<1x250x80xi32, #tpu.memory_space<vmem>>
        %dma_wait3A_77 = tpu.memref_squeeze %dma_wait3A_76 : memref<1x250x80xi32, #tpu.memory_space<vmem>> -> memref<250x80xi32, #tpu.memory_space<vmem>>
        %dma_wait3A_78 = arith.constant 0 : i32
        %dma_wait3A_79 = tpu.memref_slice %dma_wait3A_77[%add3A_61, %dma_wait3A_78] : memref<250x80xi32, #tpu.memory_space<vmem>> -> memref<1x80xi32, #tpu.memory_space<vmem>>
        %dma_wait3A_80 = tpu.memref_squeeze %dma_wait3A_79 : memref<1x80xi32, #tpu.memory_space<vmem>> -> memref<80xi32, #tpu.memory_space<vmem>>
        %dma_wait3A_81 = arith.constant 0 : i32
        %dma_wait3A_82 = arith.constant 0 : i32
        %dma_wait3A_83 = tpu.memref_slice %arg6[%dma_wait3A_81, %dma_wait3A_82] : memref<10240x64xf32, #tpu.memory_space<vmem_shared>> -> memref<10240x64xf32, #tpu.memory_space<vmem_shared>>
        tpu.wait_indirect_dma semaphore(%run_scoped3A_63 : memref<!tpu.dma_semaphore, #tpu.memory_space<semaphore_mem>>) src(%arg9 : memref<80x64xf32, #tpu.memory_space<vmem>>) dst(%dma_wait3A_83 : memref<10240x64xf32, #tpu.memory_space<vmem_shared>>)
        tpu.yield
      }) : () -> ()
    }
    %scan3A_16 = arith.constant 125 : i32
    %barrier3A_17 = arith.constant 0 : index
    tpu.barrier barrier_id(%barrier3A_17)
    %mul3A_18 = arith.constant 64 : i32
    %mul3A_19 = arith.muli %arg0, %mul3A_18 : i32
    "tpu.region"() ({
      %run_scoped3A = tpu.sem_alloc : memref<!tpu.dma_semaphore, #tpu.memory_space<semaphore_mem>>
      %dma_start3A_20 = tpu.memref_slice %arg5[%mul3A_0, %mul3A_19] : memref<10240x128xf32, #tpu.memory_space<hbm>> -> memref<640x64xf32, #tpu.memory_space<hbm>>
      %dma_start3A_21 = arith.constant 0 : i32
      %dma_start3A_22 = tpu.memref_slice %arg6[%mul3A_0, %dma_start3A_21] : memref<10240x64xf32, #tpu.memory_space<vmem_shared>> -> memref<640x64xf32, #tpu.memory_space<vmem_shared>>
      tpu.enqueue_dma source(%dma_start3A_22 : memref<640x64xf32, #tpu.memory_space<vmem_shared>>) target(%dma_start3A_20 : memref<640x64xf32, #tpu.memory_space<hbm>>) target_semaphore(%run_scoped3A : memref<!tpu.dma_semaphore, #tpu.memory_space<semaphore_mem>>)
      %dma_wait3A = tpu.memref_slice %arg5[%mul3A_0, %mul3A_19] : memref<10240x128xf32, #tpu.memory_space<hbm>> -> memref<640x64xf32, #tpu.memory_space<hbm>>
      %dma_wait3A_23 = arith.constant 0 : i32
      %dma_wait3A_24 = tpu.memref_slice %arg6[%mul3A_0, %dma_wait3A_23] : memref<10240x64xf32, #tpu.memory_space<vmem_shared>> -> memref<640x64xf32, #tpu.memory_space<vmem_shared>>
      tpu.wait_dma2 semaphore(%run_scoped3A : memref<!tpu.dma_semaphore, #tpu.memory_space<semaphore_mem>>) src(%dma_wait3A_24 : memref<640x64xf32, #tpu.memory_space<vmem_shared>>) dst(%dma_wait3A : memref<640x64xf32, #tpu.memory_space<hbm>>)
      tpu.yield
    }) : () -> ()
    return
  }
}

module attributes {stable_mosaic.version = 14 : i64} {
  func.func @_lin2_body(%arg0: memref<10000x128xf32, #tpu.memory_space<vmem>>, %arg1: memref<128x128xf32, #tpu.memory_space<vmem>>, %arg2: memref<128x128xf32, #tpu.memory_space<vmem>>, %arg3: memref<128xf32, #tpu.memory_space<vmem>>, %arg4: memref<10000x128xf32, #tpu.memory_space<vmem>>, %arg5: memref<10000x128xf32, #tpu.memory_space<vmem>>) attributes {dimension_semantics = [], scalar_prefetch = 0 : i64, scratch_operands = 0 : i64, tpu.core_type = #tpu.core_type<tc>} {
    %get3A = arith.constant 0 : index
    %get3A_0 = arith.constant 0 : index
    %get3A_1 = vector.load %arg0[%get3A, %get3A_0] : memref<10000x128xf32, #tpu.memory_space<vmem>>, vector<10000x128xf32>
    %get3A_2 = arith.constant 0 : index
    %get3A_3 = arith.constant 0 : index
    %get3A_4 = vector.load %arg1[%get3A_2, %get3A_3] : memref<128x128xf32, #tpu.memory_space<vmem>>, vector<128x128xf32>
    %dot_general3A = arith.constant dense<0.000000e+00> : vector<10000x128xf32>
    %dot_general3A_5 = tpu.matmul %get3A_1, %get3A_4, %dot_general3A {dimension_numbers = #tpu.dot_dimension_numbers<[1], [1], [0], [0], [0, 0, 1, 0], [], []>, transpose_lhs_hint = false} : vector<10000x128xf32>, vector<128x128xf32>, vector<10000x128xf32> -> vector<10000x128xf32>
    %swap3A = arith.constant 0 : index
    %swap3A_6 = arith.constant 0 : index
    %swap3A_7 = vector.load %arg4[%swap3A, %swap3A_6] : memref<10000x128xf32, #tpu.memory_space<vmem>>, vector<10000x128xf32>
    tpu.vector_store %arg4[%swap3A, %swap3A_6], %dot_general3A_5 {strides = array<i32>} : memref<10000x128xf32, #tpu.memory_space<vmem>>, vector<10000x128xf32>,
    %get3A_8 = arith.constant 0 : index
    %get3A_9 = arith.constant 0 : index
    %get3A_10 = vector.load %arg2[%get3A_8, %get3A_9] : memref<128x128xf32, #tpu.memory_space<vmem>>, vector<128x128xf32>
    %dot_general3A_11 = arith.constant dense<0.000000e+00> : vector<10000x128xf32>
    %dot_general3A_12 = tpu.matmul %get3A_1, %get3A_10, %dot_general3A_11 {dimension_numbers = #tpu.dot_dimension_numbers<[1], [1], [0], [0], [0, 0, 1, 0], [], []>, transpose_lhs_hint = false} : vector<10000x128xf32>, vector<128x128xf32>, vector<10000x128xf32> -> vector<10000x128xf32>
    %get3A_13 = arith.constant 0 : index
    %get3A_14 = vector.load %arg3[%get3A_13] : memref<128xf32, #tpu.memory_space<vmem>>, vector<128xf32>
    %broadcast_in_dim3A = vector.shape_cast %get3A_14 : vector<128xf32> to vector<1x128xf32>
    %add3A = vector.broadcast %broadcast_in_dim3A : vector<1x128xf32> to vector<10000x128xf32>
    %add3A_15 = arith.addf %dot_general3A_12, %add3A : vector<10000x128xf32>
    %swap3A_16 = arith.constant 0 : index
    %swap3A_17 = arith.constant 0 : index
    %swap3A_18 = vector.load %arg5[%swap3A_16, %swap3A_17] : memref<10000x128xf32, #tpu.memory_space<vmem>>, vector<10000x128xf32>
    tpu.vector_store %arg5[%swap3A_16, %swap3A_17], %add3A_15 {strides = array<i32>} : memref<10000x128xf32, #tpu.memory_space<vmem>>, vector<10000x128xf32>,
    return
  }
}

module attributes {stable_mosaic.version = 14 : i64} {
  func.func @_mid_body(%arg0: memref<10240x128xf32, #tpu.memory_space<vmem>>, %arg1: memref<10240x128xf32, #tpu.memory_space<vmem>>, %arg2: memref<10000x128xf32, #tpu.memory_space<vmem>>, %arg3: memref<128x128xf32, #tpu.memory_space<vmem>>, %arg4: memref<128x128xf32, #tpu.memory_space<vmem>>, %arg5: memref<128xf32, #tpu.memory_space<vmem>>, %arg6: memref<10000x128xf32, #tpu.memory_space<vmem>>, %arg7: memref<10000x128xf32, #tpu.memory_space<vmem>>) attributes {dimension_semantics = [], scalar_prefetch = 0 : i64, scratch_operands = 0 : i64, tpu.core_type = #tpu.core_type<tc>} {
    %get3A = arith.constant 0 : index
    %get3A_0 = arith.constant 0 : index
    %get3A_1 = vector.load %arg1[%get3A, %get3A_0] : memref<10240x128xf32, #tpu.memory_space<vmem>>, vector<10000x1xf32>
    %get3A_2 = arith.constant 0 : index
    %get3A_3 = arith.constant 8 : index
    %get3A_4 = vector.load %arg1[%get3A_2, %get3A_3] : memref<10240x128xf32, #tpu.memory_space<vmem>>, vector<10000x1xf32>
    %add3A = arith.addf %get3A_1, %get3A_4 : vector<10000x1xf32>
    %max3A = arith.constant 1.000000e+00 : f32
    %max3A_5 = vector.broadcast %max3A : f32 to vector<10000x1xf32>
    %max3A_6 = arith.maximumf %add3A, %max3A_5 : vector<10000x1xf32>
    %div3A = arith.constant 1.000000e+00 : f32
    %div3A_7 = vector.broadcast %div3A : f32 to vector<10000x1xf32>
    %div3A_8 = arith.divf %div3A_7, %max3A_6 : vector<10000x1xf32>
    %get3A_9 = arith.constant 0 : index
    %get3A_10 = arith.constant 0 : index
    %get3A_11 = vector.load %arg0[%get3A_9, %get3A_10] : memref<10240x128xf32, #tpu.memory_space<vmem>>, vector<10000x128xf32>
    %mul3A = vector.broadcast %div3A_8 : vector<10000x1xf32> to vector<10000x128xf32>
    %mul3A_12 = arith.mulf %get3A_11, %mul3A : vector<10000x128xf32>
    %get3A_13 = arith.constant 0 : index
    %get3A_14 = arith.constant 0 : index
    %get3A_15 = vector.load %arg2[%get3A_13, %get3A_14] : memref<10000x128xf32, #tpu.memory_space<vmem>>, vector<10000x128xf32>
    %add3A_16 = arith.addf %mul3A_12, %get3A_15 : vector<10000x128xf32>
    %max3A_17 = arith.constant 0.000000e+00 : f32
    %max3A_18 = vector.broadcast %max3A_17 : f32 to vector<10000x128xf32>
    %max3A_19 = arith.maximumf %add3A_16, %max3A_18 : vector<10000x128xf32>
    %get3A_20 = arith.constant 0 : index
    %get3A_21 = arith.constant 0 : index
    %get3A_22 = vector.load %arg3[%get3A_20, %get3A_21] : memref<128x128xf32, #tpu.memory_space<vmem>>, vector<128x128xf32>
    %dot_general3A = arith.constant dense<0.000000e+00> : vector<10000x128xf32>
    %dot_general3A_23 = tpu.matmul %max3A_19, %get3A_22, %dot_general3A {dimension_numbers = #tpu.dot_dimension_numbers<[1], [1], [0], [0], [0, 0, 1, 0], [], []>, transpose_lhs_hint = false} : vector<10000x128xf32>, vector<128x128xf32>, vector<10000x128xf32> -> vector<10000x128xf32>
    %swap3A = arith.constant 0 : index
    %swap3A_24 = arith.constant 0 : index
    %swap3A_25 = vector.load %arg6[%swap3A, %swap3A_24] : memref<10000x128xf32, #tpu.memory_space<vmem>>, vector<10000x128xf32>
    tpu.vector_store %arg6[%swap3A, %swap3A_24], %dot_general3A_23 {strides = array<i32>} : memref<10000x128xf32, #tpu.memory_space<vmem>>, vector<10000x128xf32>,
    %get3A_26 = arith.constant 0 : index
    %get3A_27 = arith.constant 0 : index
    %get3A_28 = vector.load %arg4[%get3A_26, %get3A_27] : memref<128x128xf32, #tpu.memory_space<vmem>>, vector<128x128xf32>
    %dot_general3A_29 = arith.constant dense<0.000000e+00> : vector<10000x128xf32>
    %dot_general3A_30 = tpu.matmul %max3A_19, %get3A_28, %dot_general3A_29 {dimension_numbers = #tpu.dot_dimension_numbers<[1], [1], [0], [0], [0, 0, 1, 0], [], []>, transpose_lhs_hint = false} : vector<10000x128xf32>, vector<128x128xf32>, vector<10000x128xf32> -> vector<10000x128xf32>
    %get3A_31 = arith.constant 0 : index
    %get3A_32 = vector.load %arg5[%get3A_31] : memref<128xf32, #tpu.memory_space<vmem>>, vector<128xf32>
    %broadcast_in_dim3A = vector.shape_cast %get3A_32 : vector<128xf32> to vector<1x128xf32>
    %add3A_33 = vector.broadcast %broadcast_in_dim3A : vector<1x128xf32> to vector<10000x128xf32>
    %add3A_34 = arith.addf %dot_general3A_30, %add3A_33 : vector<10000x128xf32>
    %swap3A_35 = arith.constant 0 : index
    %swap3A_36 = arith.constant 0 : index
    %swap3A_37 = vector.load %arg7[%swap3A_35, %swap3A_36] : memref<10000x128xf32, #tpu.memory_space<vmem>>, vector<10000x128xf32>
    tpu.vector_store %arg7[%swap3A_35, %swap3A_36], %add3A_34 {strides = array<i32>} : memref<10000x128xf32, #tpu.memory_space<vmem>>, vector<10000x128xf32>,
    return
  }
}

module attributes {stable_mosaic.version = 14 : i64} {
  func.func @_final_body(%arg0: memref<10240x128xf32, #tpu.memory_space<vmem>>, %arg1: memref<10240x128xf32, #tpu.memory_space<vmem>>, %arg2: memref<10000x128xf32, #tpu.memory_space<vmem>>, %arg3: memref<10000x128xf32, #tpu.memory_space<vmem>>) attributes {dimension_semantics = [], scalar_prefetch = 0 : i64, scratch_operands = 0 : i64, tpu.core_type = #tpu.core_type<tc>} {
    %get3A = arith.constant 0 : index
    %get3A_0 = arith.constant 0 : index
    %get3A_1 = vector.load %arg1[%get3A, %get3A_0] : memref<10240x128xf32, #tpu.memory_space<vmem>>, vector<10000x1xf32>
    %get3A_2 = arith.constant 0 : index
    %get3A_3 = arith.constant 8 : index
    %get3A_4 = vector.load %arg1[%get3A_2, %get3A_3] : memref<10240x128xf32, #tpu.memory_space<vmem>>, vector<10000x1xf32>
    %add3A = arith.addf %get3A_1, %get3A_4 : vector<10000x1xf32>
    %max3A = arith.constant 1.000000e+00 : f32
    %max3A_5 = vector.broadcast %max3A : f32 to vector<10000x1xf32>
    %max3A_6 = arith.maximumf %add3A, %max3A_5 : vector<10000x1xf32>
    %div3A = arith.constant 1.000000e+00 : f32
    %div3A_7 = vector.broadcast %div3A : f32 to vector<10000x1xf32>
    %div3A_8 = arith.divf %div3A_7, %max3A_6 : vector<10000x1xf32>
    %get3A_9 = arith.constant 0 : index
    %get3A_10 = arith.constant 0 : index
    %get3A_11 = vector.load %arg0[%get3A_9, %get3A_10] : memref<10240x128xf32, #tpu.memory_space<vmem>>, vector<10000x128xf32>
    %mul3A = vector.broadcast %div3A_8 : vector<10000x1xf32> to vector<10000x128xf32>
    %mul3A_12 = arith.mulf %get3A_11, %mul3A : vector<10000x128xf32>
    %get3A_13 = arith.constant 0 : index
    %get3A_14 = arith.constant 0 : index
    %get3A_15 = vector.load %arg2[%get3A_13, %get3A_14] : memref<10000x128xf32, #tpu.memory_space<vmem>>, vector<10000x128xf32>
    %add3A_16 = arith.addf %mul3A_12, %get3A_15 : vector<10000x128xf32>
    %swap3A = arith.constant 0 : index
    %swap3A_17 = arith.constant 0 : index
    %swap3A_18 = vector.load %arg3[%swap3A, %swap3A_17] : memref<10000x128xf32, #tpu.memory_space<vmem>>, vector<10000x128xf32>
    tpu.vector_store %arg3[%swap3A, %swap3A_17], %add3A_16 {strides = array<i32>} : memref<10000x128xf32, #tpu.memory_space<vmem>>, vector<10000x128xf32>,
    return
  }
}

</mosaic_0001>

<sc_bundles>
// kernel: kernel.10.cloned.1.call-start
scs
__scs_entry_jumppad:
0x0: {  	(pc) =	sbr.rel $0x88, $3  }
0x1: {  	(tag) =	ssettag $0x0;
	lr =	simm.s32 $0x1  }
0x2: {  	[smem:$0x3F99] =	sst lr;
	_ =	strace $0xD0000000  }
0x3: {  	_ = 	snop  }
0x4: {  	_ = 	snop  }
0x5: {  	_ = 	snop  }
0x6: {  	_ = 	snop  }
0x7: {  	_ = 	snop  }
__scs_overlays_trampoline_lowered:
0x8: {  	[smem:$0x3FA8] =	sst s0  }
0x9: {  	[smem:$0x3FA9] =	sst s1  }
0xa: {  	[smem:$0x3FAA] =	sst s2  }
0xb: {  	[smem:$0x3FAB] =	sst s3  }
0xc: {  	[smem:$0x3FAC] =	sst s4  }
0xd: {  	[smem:$0x3FAD] =	sst s5  }
0xe: {  	[smem:$0x3FAE] =	sst s6  }
0xf: {  	[smem:$0x3FAF] =	sst s7  }
0x10: {  	[smem:$0x3FB0] =	sst s8  }
0x11: {  	[smem:$0x3FB1] =	sst s9;
	s0 =	simm.s32 @!p0 $0x0  }
0x12: {  	s1 =	sld [smem:$0x3F97];
	s0 =	simm.s32 @p0 $0x1  }
0x13: {  	[smem:$0x3FB2] =	sst s0;
	s0 =	simm.s32 @!p1 $0x0  }
0x14: {  	s2 =	sld [smem:$0x3F96];
	s0 =	simm.s32 @p1 $0x1  }
0x15: {  	[smem:$0x3FB3] =	sst s0;
	s0 =	simm.s32 @!p2 $0x0  }
0x16: {  	s3 =	sld [smem:$0x3FDB];
	s0 =	simm.s32 @p2 $0x1  }
0x17: {  	s4 =	simm.s32 $0x1BF5;
	[smem:$0x3FB5] =	sst s0  }
0x18: {  	s0 =	sld [smem:$0x3F98];
	_ =	swait.ge [sflag:s4], $0x0  }
0x19: {  	s7 =	sld [smem:$0x3F99]  }
0x1a: {  	s8 =	sadd.s32 $0xFFFFE003, lr  }
0x1b: {  	s9 =	sadd.s32 $0xFFFFFEF7, lr;
	s5 =	simm.s32 $0xFFFFFFFF;
	p2 =	slt.u32 s8, $0xFFFFF086  }
0x1c: {  	p1 =	slt.u32 s9, $0xF7A;
	s5 =	simm.s32 @!p2 $0x0  }
0x1d: {  	s5 =	simm.s32 @p1 $0x1;
	p0 =	seq.s32 s7, s2  }
0x1e: {  	s7 =	smul.u32 @!p0 $0xF7A, s2;
	p2 =	seq.s32 @!p0 s5, $0x0  }
0x1f: {  	s9 =	smul.u32 $0xF7A, s1;
	s8 =	simm.s32 @!p0 $0x1BF5;
	p2 =	por !p2, p0  }
0x20: {  	[sflag:s8] =	ssyncset.s32 @!p0 $0xFFFFF086;
	s6 =	sadd.s32 @!p0 s3, s7;
	s7 =	simm.s32 @!p0 $0x108  }
0x21: {  	s3 =	sadd.s32 s3, s9;
	s6 =	sadd.s32 @!p0 $0x88, s6;
	s7 =	simm.s32 @p2 $0x1082  }
0x22: {  	[simem:s7], [sflag:s8] =	dma.local @!p0 [hbm:s6], $0xF7A  }
0x23: {  	s9 =	sor.u32 $0xD0000000, s2;
	s6 =	simm.s32 $0x108;
	_ =	swait.ge @!p0 [sflag:s8], $0x0  }
0x24: {  	s3 =	sadd.s32 $0x88, s3;
	s6 =	simm.s32 @!p1 $0x1082;
	[sflag:s4] =	ssyncset.s32 $0xFFFFF086  }
0x25: {  	[simem:s6], [sflag:s4] =	dma.local [hbm:s3], $0xF7A  }
0x26: {  	[smem:$0x3F99] =	sst s1;
	(tag) =	ssettag s2;
	_ =	strace s9  }
0x27: {  	s1 =	sld [smem:$0x3FA9]  }
0x28: {  	s2 =	sld [smem:$0x3FAA]  }
0x29: {  	s4 =	sld [smem:$0x3FAC]  }
0x2a: {  	p0 =	seq.s32 s5, $0x0;
	s5 =	sld [smem:$0x3FAD]  }
0x2b: {  	s6 =	sld [smem:$0x3FAE]  }
0x2c: {  	s7 =	sld [smem:$0x3FAF]  }
0x2d: {  	s3 =	simm.s32 $0x108;
	s8 =	sld [smem:$0x3FB0]  }
0x2e: {  	s3 =	simm.s32 @!p0 $0x1082;
	s9 =	sld [smem:$0x3FB1]  }
0x2f: {  	lr =	sadd.s32 s0, s3;
	s0 =	sld [smem:$0x3FA8]  }
0x30: {  	s3 =	sld [smem:$0x3FAB]  }
0x31: {  	[smem:$0x3FB4] =	sst s10  }
0x32: {  	s10 =	sld [smem:$0x3FB2];
	_ =	sdelay $0x3  }
0x33: {  	p0 =	seq.s32 s10, $0x1;
	s10 =	sld [smem:$0x3FB4];
	_ =	sdelay $0x3  }
0x34: {  	[smem:$0x3FB4] =	sst s10  }
0x35: {  	s10 =	sld [smem:$0x3FB3];
	_ =	sdelay $0x3  }
0x36: {  	p1 =	seq.s32 s10, $0x1;
	s10 =	sld [smem:$0x3FB4];
	_ =	sdelay $0x3  }
0x37: {  	[smem:$0x3FB4] =	sst s10  }
0x38: {  	s10 =	sld [smem:$0x3FB5]  }
0x39: {  	_ = 	snop;
	(pc) =	sbr.ind lr, $3  }
0x3a: {  	_ = 	snop  }
0x3b: {  	_ = 	snop  }
0x3c: {  	p2 =	seq.s32 s10, $0x1;
	s10 =	sld [smem:$0x3FB4]  }
0x3d: {  	_ =	shalt  }
0x3e: {  	_ =	shalt  }
0x3f: {  	_ =	shalt  }
0x40: {  	_ =	shalt  }
0x41: {  	_ =	shalt  }
0x42: {  	_ =	shalt  }
0x43: {  	_ =	shalt  }
0x44: {  	_ =	shalt  }
0x45: {  	_ =	shalt  }
0x46: {  	_ =	shalt  }
0x47: {  	_ =	shalt  }
0x48: {  	_ =	shalt  }
0x49: {  	_ =	shalt  }
0x4a: {  	_ =	shalt  }
0x4b: {  	_ =	shalt  }
0x4c: {  	_ =	shalt  }
0x4d: {  	_ =	shalt  }
0x4e: {  	_ =	shalt  }
0x4f: {  	_ =	shalt  }
0x50: {  	_ =	shalt  }
0x51: {  	_ =	shalt  }
0x52: {  	_ =	shalt  }
0x53: {  	_ =	shalt  }
0x54: {  	_ =	shalt  }
0x55: {  	_ =	shalt  }
0x56: {  	_ =	shalt  }
0x57: {  	_ =	shalt  }
0x58: {  	_ =	shalt  }
0x59: {  	_ =	shalt  }
0x5a: {  	_ =	shalt  }
0x5b: {  	_ =	shalt  }
0x5c: {  	_ =	shalt  }
0x5d: {  	_ =	shalt  }
0x5e: {  	_ =	shalt  }
0x5f: {  	_ =	shalt  }
0x60: {  	_ =	shalt  }
0x61: {  	_ =	shalt  }
0x62: {  	_ =	shalt  }
0x63: {  	_ =	shalt  }
0x64: {  	_ =	shalt  }
0x65: {  	_ =	shalt  }
0x66: {  	_ =	shalt  }
0x67: {  	_ =	shalt  }
0x68: {  	_ =	shalt  }
0x69: {  	_ =	shalt  }
0x6a: {  	_ =	shalt  }
0x6b: {  	_ =	shalt  }
0x6c: {  	_ =	shalt  }
0x6d: {  	_ =	shalt  }
0x6e: {  	_ =	shalt  }
0x6f: {  	_ =	shalt  }
0x70: {  	_ =	shalt  }
0x71: {  	_ =	shalt  }
0x72: {  	_ =	shalt  }
0x73: {  	_ =	shalt  }
0x74: {  	_ =	shalt  }
0x75: {  	_ =	shalt  }
0x76: {  	_ =	shalt  }
0x77: {  	_ =	shalt  }
0x78: {  	_ =	shalt  }
0x79: {  	_ =	shalt  }
0x7a: {  	_ =	shalt  }
0x7b: {  	_ =	shalt  }
0x7c: {  	_ =	shalt  }
0x7d: {  	_ =	shalt  }
0x7e: {  	_ =	shalt  }
0x7f: {  	_ =	shalt  }
0x80: {  	_ =	shalt  }
0x81: {  	_ =	shalt  }
0x82: {  	_ =	shalt  }
0x83: {  	_ =	shalt  }
0x84: {  	_ =	shalt  }
0x85: {  	_ =	shalt  }
0x86: {  	_ =	shalt  }
0x87: {  	_ =	shalt  }
.Lfunc_end0:
.L_simem_size_0:
called_computation.1_lowered:
.L_overlay_start_0:
0x88: {  	s2 =	sld [smem:$0x3FD9]  }
0x89: {  	s3 =	sld [smem:$0x3FFE];
	_ =	sdelay $0x1  }
0x8a: {  	s1 =	srdreg.scid  }
0x8b: {  	s0 =	sand.u32 $0x1, s1  }
0x8c: {  	s17 =	sshll.u32 s0, $0xA;
	s2 =	sadd.s32 s3, s2  }
0x8d: {  	s2 =	sadd.s32 s2, s17  }
0x8e: {  	[smem:$0x3FC0] =	sst s2  }
0x8f: {  	_ = 	snop  }
0x90: {  	s2 =	sld [smem:$0x3FD0];
	(tm) =	ssettm $0x1  }
0x91: {  	s18 =	sld [smem:$0x3FFB];
	_ =	sdelay $0x3  }
0x92: {  	_ =	strace s18  }
0x93: {  	s3 =	sld [smem:$0x3FFC];
	_ =	sdelay $0x3  }
0x94: {  	_ =	strace s3  }
0x95: {  	s3 =	sld [smem:$0x3FFD];
	_ =	sdelay $0x3  }
0x96: {  	_ =	strace s3  }
0x97: {  	_ =	strace $0x8FFFFFFF  }
0x98: {  	s19 =	sld [smem:$0x3FDB];
	_ =	sdelay $0x1  }
0x99: {  	s4 =	simm.s32 $_scs_section_size  }
0x9a: {  	s5 =	simm.s32 $_size__tile_overlayer_lowered;
	s6 =	simm.s32 $_tile_overlayer_lowered  }
0x9b: {  	s22 =	simm.s32 $0x1BFF;
	s21 =	sshll.u32 s6, $0x1;
	s3 =	sadd.s32 s4, s19  }
0x9c: {  	s7 =	simm.s32 $0x0;
	s20 =	sshll.u32 s5, $0x1;
	s5 =	sadd.s32 s21, s3  }
0x9d: {  	[timem:s7], [sflag:s22] =	dma.local [hbm:s5], s20  }
0x9e: {  	_ =	swait.ge [sflag:s22], s20  }
0x9f: {  	s4 =	ssub.s32 $0x0, s20;
	[sflag:s22] =	ssyncset.done $0x0  }
0xa0: {  	[sflag:s22] =	ssyncadd.s32 s4;
	_ =	sdelay $0x1  }
0xa1: {  	s23 =	simm.s32 $0x1B8B  }
0xa2: {  	_ =	swait.ge [sflag:s23], $0x1  }
0xa3: {  	[sflag:s23] =	ssyncset.done $0x0  }
0xa4: {  	s25 =	simm.s32 $0x1B8E;
	s24 =	sld [smem:$0x3FFE];
	[sflag:s23] =	ssyncadd.s32 $0xFFFFFFFF  }
0xa5: {  	s26 =	simm.s32 $execute0_lowered;
	[smem:$0x3FD2] =	sst s25  }
0xa6: {  	s5 =	sshll.u32 s26, $0x1;
	_ =	strace $0x80000049;
	[dreg:$0x1] =	wrdreg $0xFFFFFFFF  }
0xa7: {  	s28 =	simm.s32 $_size_execute0_lowered;
	s3 =	sadd.s32 s3, s5;
	[dreg:$0x0] =	wrdreg $0x0  }
0xa8: {  	s5 =	sshll.u32 s28, $0x1;
	[dreg:$0x2] =	wrdreg s3  }
0xa9: {  	[dreg:$0x3] =	wrdreg s5  }
0xaa: {  	[dreg:$0x4] =	wrdreg $0xC0  }
0xab: {  	_ =	task [dreg:s7], $0x5FFFF  }
0xac: {  	[dreg:$0x1] =	wrdreg $0xFFFFFFFF  }
0xad: {  	[dreg:$0x0] =	wrdreg $0x60  }
0xae: {  	[dreg:$0x2] =	wrdreg s2  }
0xaf: {  	[dreg:$0x3] =	wrdreg s24  }
0xb0: {  	[dreg:$0x4] =	wrdreg $0x0  }
0xb1: {  	[dreg:$0x5] =	wrdreg $0x9  }
0xb2: {  	_ =	task.clear_ibuf [dreg:s7], $0x6FFFF;
	_ =	strace $0x90000049  }
0xb3: {  	s29 =	simm.s32 $0x9;
	_ =	strace $0x8000004B  }
0xb4: {  	_ =	swait.ge [sflag:s29], $0x1  }
0xb5: {  	[sflag:s29] =	ssyncadd.s32 $0xFFFFFFFF  }
0xb6: {  	_ =	strace $0x9000004B  }
0xb7: {  	_ =	sfence  }
0xb8: {  	s30 =	sld [smem:$0x0];
	_ =	sdelay $0x2  }
0xb9: {  	s31 =	sshll.u32 s1, $0xD;
	s1 =	sshrl.u32 s1, $0x2  }
0xba: {  	s3 =	sand.u32 $0x4000, s31;
	s1 =	sadd.s32 s1, s30  }
0xbb: {  	s0 =	sor.u32 s3, s0;
	s1 =	sshll.u32 s1, $0x11  }
0xbc: {  	s0 =	sor.u32 s1, s0  }
0xbd: {  	s0 =	sadd.s32 $0x8F2B, s0  }
0xbe: {  	[sflag:s0] =	ssyncadd.remote.s32 $0x1  }
0xbf: {  	_ =	sfence.sel $0xFFFF  }
0xc0: {  	[dreg:$0x0] =	wrdreg $0xFFFFFFFF;
	(pc) =	sbr.abs _section_cstart, $3  }
0xc1: {  	[dreg:$0x1] =	wrdreg $0xFFFFFFFF  }
0xc2: {  	_ =	task.clear_ibuf [dreg:s7], $0x2FFFF;
	_ =	strace $0x9FFFFFFF  }
0xc3: {  	(tm) =	ssettm $0x7FFFFFFF  }
tec
execute0_lowered:
.L_overlay_start_1:
0x0: {  	(tag) =	ssettag $0x1  }
0x1: {  	s1 =	rddreg [dreg:$0x0]  }
0x2: {  	s6 =	rddreg [dreg:$0x1]  }
0x3: {  	s3 =	rddreg [dreg:$0x2]  }
0x4: {  	s0 =	rddreg [dreg:$0x3]  }
0x5: {  	s5 =	srdreg.scid;
	s2 =	stileid.u32  }
0x6: {  	s4 =	simm.s32 $0x0;
	s13 =	simm.s32 $0x50;
	s14 =	simm.s32 $0x13C40  }
0x7: {  	s15 =	simm.s32 $0x15040;
	s16 =	simm.s32 $0x1;
	s17 =	simm.s32 $0x2  }
0x8: {  	s18 =	simm.s32 $0xEDD0;
	s19 =	simm.s32 $0x13BA0;
	s20 =	simm.s32 $0x13BF0  }
0x9: {  	s21 =	simm.s32 $0x10;
	s22 =	simm.s32 $0x8;
	s25 =	smul.u32 $0x14000, s2  }
0xa: {  	s23 =	simm.s32 $0x0;
	s7 =	sand.u32 $0x1, s5;
	s26 =	smul.u32 $0x1388, s2  }
0xb: {  	[smem:$0x7FF] =	sst s4;
	s11 =	smul.u32 $0x28000, s2;
	s31 =	sshll.u32 s2, $0x6  }
0xc: {  	s8 =	smul.u32 $0x13880, s7;
	s9 =	sshll.u32 s7, $0x6;
	s28 =	ssub.s32 $0x2, s7  }
0xd: {  	_ =	strace $0x8000004A;
	s5 =	sor.u32 s9, s25;
	s7 =	sshrl.u32 s28, $0x1  }
0xe: {  	s29 =	sshrl.u32 s11, $0x2;
	s9 =	simm.s32 $0xA000;
	s11 =	sor.u32 $0x1C03, s31  }
0xf: {  	s8 =	sadd.s32 s8, s6;
	s10 =	sshrl.u32 s5, $0x3;
	s5 =	sadd.s32 $0x29E00, s6  }
0x10: {  	s30 =	ssub.s32 s28, s7;
	s12 =	sadd.s32 s29, s3;
	s8 =	sadd.s32 s26, s8  }
0x11: {  	s10 =	sadd.s32 s10, s6;
	s12 =	sshrl.u32 s12, $0x3;
	s6 =	sadd.s32 $0x2600, s8  }
0x12: {  	s7 =	sadd.s32 $0x2B200, s10;
	s8 =	smax.u32 s30, $0x1;
	s10 =	simm.s32 $0x3  }
.LBB2_1:
0x13: {  	[tilespmem:s9], [sflag:$0x3] =	stream.linear.gather [hbm4b:s6+s4], $0x9C40, $0x38;
	[tilespmem:$0x16440] =	vst v63  }
0x14: {  	_ =	swait.ge [sflag:s10], $0x9C40  }
0x15: {  	[sflag:s10] =	ssyncset.done $0x0  }
0x16: {  	[sflag:s10] =	ssyncadd.s32 $0xFFFF63C0  }
0x17: {  	[spmem:s12], [sflag:s11] =	dma.local [hbm:s5], $0x1400  }
0x18: {  	_ =	swait.ge [sflag:s10], $0x1400  }
0x19: {  	[sflag:s10] =	ssyncset.done $0x0  }
0x1a: {  	[sflag:s10] =	ssyncadd.s32 $0xFFFFEC00  }
0x1b: {  	[bflag:$0x0] =	sbarrier.arrive $0xFFFF  }
0x1c: {  	[tilespmem:s14], [sflag:$0x1] =	stream.indirect.gather [hbm4b:s1+s13], $0x40, s9, s13, $0xb8;
	[tilespmem:$0x16440] =	vst v63  }
0x1d: {  	s24 =	simm.s32 $0xA050  }
0x1e: {  	[tilespmem:s15], [sflag:$0x2] =	stream.indirect.gather [hbm4b:s1+s13], $0x40, s24, s13, $0xb8;
	[tilespmem:$0x16440] =	vst v63  }
0x1f: {  	_ =	swait.ge [sflag:s16], $0x1400  }
0x20: {  	[sflag:s16] =	ssyncset.done $0x0  }
0x21: {  	s29 =	simm.s32 $0xEE20;
	[sflag:s16] =	ssyncadd.s32 $0xFFFFEC00  }
0x22: {  	[spmem:s3] =	stream.indirect.scatter.add.f32 [tilespmem:s14], [sflag:$0x3], $0x40, s29, s13, $0xb8;
	[tilespmem:$0x16440] =	vst v63  }
0x23: {  	_ =	swait.ge [sflag:s10], $0x1400  }
0x24: {  	[sflag:s10] =	ssyncset.done $0x0  }
0x25: {  	s30 =	simm.s32 $0xA0A0;
	[sflag:s10] =	ssyncadd.s32 $0xFFFFEC00  }
0x26: {  	[tilespmem:s14], [sflag:$0x1] =	stream.indirect.gather [hbm4b:s1+s13], $0x40, s30, s13, $0xb8;
	[tilespmem:$0x16440] =	vst v63  }
0x27: {  	_ =	swait.ge [sflag:s17], $0x1400  }
0x28: {  	[sflag:s17] =	ssyncset.done $0x0  }
0x29: {  	s31 =	simm.s32 $0xEE70;
	[sflag:s17] =	ssyncadd.s32 $0xFFFFEC00  }
0x2a: {  	[spmem:s3] =	stream.indirect.scatter.add.f32 [tilespmem:s15], [sflag:$0x3], $0x40, s31, s13, $0xb8;
	[tilespmem:$0x16440] =	vst v63  }
0x2b: {  	_ =	swait.ge [sflag:s10], $0x1400  }
0x2c: {  	s25 =	simm.s32 $0x780;
	s24 =	simm.s32 $0x140;
	[sflag:s10] =	ssyncset.done $0x0  }
.LBB2_2:
0x2d: {  	s26 =	sadd.s32 $0x9FB0, s24  }
0x2e: {  	[sflag:s10] =	ssyncadd.s32 $0xFFFFEC00;
	s28 =	smov.u32 s25;
	s29 =	sadd.s32 $0x280, s25  }
0x2f: {  	[tilespmem:s15], [sflag:$0x2] =	stream.indirect.gather [hbm4b:s1+s13], $0x40, s26, s13, $0xb8;
	[tilespmem:$0x16440] =	vst v63  }
0x30: {  	p0 =	sne.s32 s25, $0x13600;
	_ =	swait.ge [sflag:s16], $0x1400  }
0x31: {  	[sflag:s16] =	ssyncset.done $0x0  }
0x32: {  	s25 =	sadd.s32 $0xED80, s24;
	[sflag:s16] =	ssyncadd.s32 $0xFFFFEC00  }
0x33: {  	[spmem:s3] =	stream.indirect.scatter.add.f32 [tilespmem:s14], [sflag:$0x3], $0x40, s25, s13, $0xb8;
	[tilespmem:$0x16440] =	vst v63  }
0x34: {  	_ =	swait.ge [sflag:s10], $0x1400  }
0x35: {  	[sflag:s10] =	ssyncset.done $0x0  }
0x36: {  	s25 =	sadd.s32 $0xA000, s24;
	[sflag:s10] =	ssyncadd.s32 $0xFFFFEC00  }
0x37: {  	[tilespmem:s14], [sflag:$0x1] =	stream.indirect.gather [hbm4b:s1+s13], $0x40, s25, s13, $0xb8;
	[tilespmem:$0x16440] =	vst v63  }
0x38: {  	_ =	swait.ge [sflag:s17], $0x1400  }
.Ltmp0:
0x39: {  	[sflag:s17] =	ssyncset.done $0x0;
	(pc) =	sbr.rel @p0 .LBB2_2-.Ltmp0, $4  }
0x3a: {  	s24 =	sadd.s32 $0xEDD0, s24;
	[sflag:s17] =	ssyncadd.s32 $0xFFFFEC00  }
0x3b: {  	[spmem:s3] =	stream.indirect.scatter.add.f32 [tilespmem:s15], [sflag:$0x3], $0x40, s24, s13, $0xb8;
	[tilespmem:$0x16440] =	vst v63  }
0x3c: {  	_ =	swait.ge [sflag:s10], $0x1400  }
0x3d: {  	s25 =	smov.u32 s29;
	s24 =	sshra.s32 s28, $0x2;
	[sflag:s10] =	ssyncset.done $0x0  }
0x3e: {  	s25 =	sadd.s32 $0x9FB0, s24;
	[sflag:s10] =	ssyncadd.s32 $0xFFFFEC00  }
0x3f: {  	[tilespmem:s15], [sflag:$0x2] =	stream.indirect.gather [hbm4b:s1+s13], $0x40, s25, s13, $0xb8;
	[tilespmem:$0x16440] =	vst v63  }
0x40: {  	_ =	swait.ge [sflag:s16], $0x1400  }
0x41: {  	[sflag:s16] =	ssyncset.done $0x0  }
0x42: {  	s29 =	sadd.s32 $0xED80, s24;
	[sflag:s16] =	ssyncadd.s32 $0xFFFFEC00  }
0x43: {  	[spmem:s3] =	stream.indirect.scatter.add.f32 [tilespmem:s14], [sflag:$0x3], $0x40, s29, s13, $0xb8;
	[tilespmem:$0x16440] =	vst v63  }
0x44: {  	_ =	swait.ge [sflag:s10], $0x1400  }
0x45: {  	[sflag:s10] =	ssyncset.done $0x0  }
0x46: {  	s30 =	sadd.s32 $0xA000, s24;
	[sflag:s10] =	ssyncadd.s32 $0xFFFFEC00  }
0x47: {  	[tilespmem:s14], [sflag:$0x1] =	stream.indirect.gather [hbm4b:s1+s13], $0x40, s30, s13, $0xb8;
	[tilespmem:$0x16440] =	vst v63  }
0x48: {  	_ =	swait.ge [sflag:s17], $0x1400  }
0x49: {  	[sflag:s17] =	ssyncset.done $0x0  }
0x4a: {  	s31 =	sadd.s32 $0xEDD0, s24;
	[sflag:s17] =	ssyncadd.s32 $0xFFFFEC00  }
0x4b: {  	[spmem:s3] =	stream.indirect.scatter.add.f32 [tilespmem:s15], [sflag:$0x3], $0x40, s31, s13, $0xb8;
	[tilespmem:$0x16440] =	vst v63  }
0x4c: {  	_ =	swait.ge [sflag:s10], $0x1400  }
0x4d: {  	[sflag:s10] =	ssyncset.done $0x0  }
0x4e: {  	[sflag:s10] =	ssyncadd.s32 $0xFFFFEC00  }
0x4f: {  	[tilespmem:s15], [sflag:$0x2] =	stream.indirect.gather [hbm4b:s1+s13], $0x40, s18, s13, $0xb8;
	[tilespmem:$0x16440] =	vst v63  }
0x50: {  	_ =	swait.ge [sflag:s16], $0x1400  }
0x51: {  	[sflag:s16] =	ssyncset.done $0x0  }
0x52: {  	[sflag:s16] =	ssyncadd.s32 $0xFFFFEC00  }
0x53: {  	[spmem:s3] =	stream.indirect.scatter.add.f32 [tilespmem:s14], [sflag:$0x3], $0x40, s19, s13, $0xb8;
	[tilespmem:$0x16440] =	vst v63  }
0x54: {  	_ =	swait.ge [sflag:s10], $0x1400  }
0x55: {  	[sflag:s10] =	ssyncset.done $0x0  }
0x56: {  	[sflag:s10] =	ssyncadd.s32 $0xFFFFEC00  }
0x57: {  	_ =	swait.ge [sflag:s17], $0x1400  }
0x58: {  	[sflag:s17] =	ssyncset.done $0x0  }
0x59: {  	[sflag:s17] =	ssyncadd.s32 $0xFFFFEC00  }
0x5a: {  	[spmem:s3] =	stream.indirect.scatter.add.f32 [tilespmem:s15], [sflag:$0x3], $0x40, s20, s13, $0xb8;
	[tilespmem:$0x16440] =	vst v63  }
0x5b: {  	_ =	swait.ge [sflag:s10], $0x1400  }
0x5c: {  	s23 =	sadd.s32 $0x1, s23;
	[sflag:s10] =	ssyncset.done $0x0  }
0x5d: {  	p0 =	sne.s32 s23, s8;
	[sflag:s10] =	ssyncadd.s32 $0xFFFFEC00  }
.Ltmp1:
0x5e: {  	[bflag:$0x0] =	sbarrier.arrive $0xFFFF;
	(pc) =	sbr.rel @p0 .LBB2_1-.Ltmp1, $4  }
0x5f: {  	[hbm:s7@s21], [sflag:s11] =	dma.strided [spmem:s12@s22], $0x1400, s16, $0x8   }
0x60: {  	_ =	swait.ge [sflag:s10], $0x1400  }
0x61: {  	[sflag:s10] =	ssyncset.done $0x0  }
0x62: {  	[sflag:s10] =	ssyncadd.s32 $0xFFFFEC00  }
0x63: {  	_ =	sfence.sel $0x180000  }
0x64: {  	[bflag:$0x0] =	sbarrier.arrive $0xFFFF  }
0x65: {  	p0 =	sne.s32 s2, $0x0;
	_ =	strace $0x9000004A  }
0x66: {  	s0 =	sadd.s32 @!p0 $0x100000, s0;
	[bflag:$0x2] =	sbarrier.arrive $0xFFFF  }
0x67: {  	[sflag:s0] =	ssyncadd.tile.s32 @!p0 $0x1;
	_ =	shalt  }
.Lfunc_end2:
_tile_overlayer_lowered:
.L_overlay_start_2:
0x68: {  	(tag) =	ssettag $0x2  }
0x69: {  	s0 =	rddreg [dreg:$0x0];
	s2 =	stileid.u32  }
0x6a: {  	s1 =	rddreg [dreg:$0x1];
	p0 =	sne.s32 s2, $0x0  }
0x6b: {  	s3 =	rddreg [dreg:$0x2];
	[bflag:$0x3] =	sbarrier.arrive $0xFFFF;
	s2 =	simm.s32 @!p0 $0x1C03  }
0x6c: {  	[timem:s3], [sflag:s2] =	dma.local @!p0 [hbm:s0], s1  }
0x6d: {  	s0 =	simm.s32 @!p0 $0x3  }
0x6e: {  	_ =	swait.ge @!p0 [sflag:s0], s1  }
0x6f: {  	s1 =	ssub.s32 @!p0 $0x0, s1;
	[sflag:s0] =	ssyncset.done @!p0 $0x0  }
0x70: {  	[sflag:s0] =	ssyncadd.s32 @!p0 s1  }
0x71: {  	[bflag:$0x3] =	sbarrier.arrive $0xFFFF  }
0x72: {  	_ =	shalt  }

// kernel: kernel.7.cloned.1.call-start
scs
__scs_entry_jumppad:
0x0: {  	(pc) =	sbr.rel $0x88, $3  }
0x1: {  	(tag) =	ssettag $0x0;
	lr =	simm.s32 $0x1  }
0x2: {  	[smem:$0x3F99] =	sst lr;
	_ =	strace $0xD0000000  }
0x3: {  	_ = 	snop  }
0x4: {  	_ = 	snop  }
0x5: {  	_ = 	snop  }
0x6: {  	_ = 	snop  }
0x7: {  	_ = 	snop  }
__scs_overlays_trampoline_lowered:
0x8: {  	[smem:$0x3FA8] =	sst s0  }
0x9: {  	[smem:$0x3FA9] =	sst s1  }
0xa: {  	[smem:$0x3FAA] =	sst s2  }
0xb: {  	[smem:$0x3FAB] =	sst s3  }
0xc: {  	[smem:$0x3FAC] =	sst s4  }
0xd: {  	[smem:$0x3FAD] =	sst s5  }
0xe: {  	[smem:$0x3FAE] =	sst s6  }
0xf: {  	[smem:$0x3FAF] =	sst s7  }
0x10: {  	[smem:$0x3FB0] =	sst s8  }
0x11: {  	[smem:$0x3FB1] =	sst s9;
	s0 =	simm.s32 @!p0 $0x0  }
0x12: {  	s1 =	sld [smem:$0x3F97];
	s0 =	simm.s32 @p0 $0x1  }
0x13: {  	[smem:$0x3FB2] =	sst s0;
	s0 =	simm.s32 @!p1 $0x0  }
0x14: {  	s2 =	sld [smem:$0x3F96];
	s0 =	simm.s32 @p1 $0x1  }
0x15: {  	[smem:$0x3FB3] =	sst s0;
	s0 =	simm.s32 @!p2 $0x0  }
0x16: {  	s3 =	sld [smem:$0x3FDB];
	s0 =	simm.s32 @p2 $0x1  }
0x17: {  	s4 =	simm.s32 $0x1BF5;
	[smem:$0x3FB5] =	sst s0  }
0x18: {  	s0 =	sld [smem:$0x3F98];
	_ =	swait.ge [sflag:s4], $0x0  }
0x19: {  	s7 =	sld [smem:$0x3F99]  }
0x1a: {  	s8 =	sadd.s32 $0xFFFFE003, lr  }
0x1b: {  	s9 =	sadd.s32 $0xFFFFFEF7, lr;
	s5 =	simm.s32 $0xFFFFFFFF;
	p2 =	slt.u32 s8, $0xFFFFF086  }
0x1c: {  	p1 =	slt.u32 s9, $0xF7A;
	s5 =	simm.s32 @!p2 $0x0  }
0x1d: {  	s5 =	simm.s32 @p1 $0x1;
	p0 =	seq.s32 s7, s2  }
0x1e: {  	s7 =	smul.u32 @!p0 $0xF7A, s2;
	p2 =	seq.s32 @!p0 s5, $0x0  }
0x1f: {  	s9 =	smul.u32 $0xF7A, s1;
	s8 =	simm.s32 @!p0 $0x1BF5;
	p2 =	por !p2, p0  }
0x20: {  	[sflag:s8] =	ssyncset.s32 @!p0 $0xFFFFF086;
	s6 =	sadd.s32 @!p0 s3, s7;
	s7 =	simm.s32 @!p0 $0x108  }
0x21: {  	s3 =	sadd.s32 s3, s9;
	s6 =	sadd.s32 @!p0 $0x88, s6;
	s7 =	simm.s32 @p2 $0x1082  }
0x22: {  	[simem:s7], [sflag:s8] =	dma.local @!p0 [hbm:s6], $0xF7A  }
0x23: {  	s9 =	sor.u32 $0xD0000000, s2;
	s6 =	simm.s32 $0x108;
	_ =	swait.ge @!p0 [sflag:s8], $0x0  }
0x24: {  	s3 =	sadd.s32 $0x88, s3;
	s6 =	simm.s32 @!p1 $0x1082;
	[sflag:s4] =	ssyncset.s32 $0xFFFFF086  }
0x25: {  	[simem:s6], [sflag:s4] =	dma.local [hbm:s3], $0xF7A  }
0x26: {  	[smem:$0x3F99] =	sst s1;
	(tag) =	ssettag s2;
	_ =	strace s9  }
0x27: {  	s1 =	sld [smem:$0x3FA9]  }
0x28: {  	s2 =	sld [smem:$0x3FAA]  }
0x29: {  	s4 =	sld [smem:$0x3FAC]  }
0x2a: {  	p0 =	seq.s32 s5, $0x0;
	s5 =	sld [smem:$0x3FAD]  }
0x2b: {  	s6 =	sld [smem:$0x3FAE]  }
0x2c: {  	s7 =	sld [smem:$0x3FAF]  }
0x2d: {  	s3 =	simm.s32 $0x108;
	s8 =	sld [smem:$0x3FB0]  }
0x2e: {  	s3 =	simm.s32 @!p0 $0x1082;
	s9 =	sld [smem:$0x3FB1]  }
0x2f: {  	lr =	sadd.s32 s0, s3;
	s0 =	sld [smem:$0x3FA8]  }
0x30: {  	s3 =	sld [smem:$0x3FAB]  }
0x31: {  	[smem:$0x3FB4] =	sst s10  }
0x32: {  	s10 =	sld [smem:$0x3FB2];
	_ =	sdelay $0x3  }
0x33: {  	p0 =	seq.s32 s10, $0x1;
	s10 =	sld [smem:$0x3FB4];
	_ =	sdelay $0x3  }
0x34: {  	[smem:$0x3FB4] =	sst s10  }
0x35: {  	s10 =	sld [smem:$0x3FB3];
	_ =	sdelay $0x3  }
0x36: {  	p1 =	seq.s32 s10, $0x1;
	s10 =	sld [smem:$0x3FB4];
	_ =	sdelay $0x3  }
0x37: {  	[smem:$0x3FB4] =	sst s10  }
0x38: {  	s10 =	sld [smem:$0x3FB5]  }
0x39: {  	_ = 	snop;
	(pc) =	sbr.ind lr, $3  }
0x3a: {  	_ = 	snop  }
0x3b: {  	_ = 	snop  }
0x3c: {  	p2 =	seq.s32 s10, $0x1;
	s10 =	sld [smem:$0x3FB4]  }
0x3d: {  	_ =	shalt  }
0x3e: {  	_ =	shalt  }
0x3f: {  	_ =	shalt  }
0x40: {  	_ =	shalt  }
0x41: {  	_ =	shalt  }
0x42: {  	_ =	shalt  }
0x43: {  	_ =	shalt  }
0x44: {  	_ =	shalt  }
0x45: {  	_ =	shalt  }
0x46: {  	_ =	shalt  }
0x47: {  	_ =	shalt  }
0x48: {  	_ =	shalt  }
0x49: {  	_ =	shalt  }
0x4a: {  	_ =	shalt  }
0x4b: {  	_ =	shalt  }
0x4c: {  	_ =	shalt  }
0x4d: {  	_ =	shalt  }
0x4e: {  	_ =	shalt  }
0x4f: {  	_ =	shalt  }
0x50: {  	_ =	shalt  }
0x51: {  	_ =	shalt  }
0x52: {  	_ =	shalt  }
0x53: {  	_ =	shalt  }
0x54: {  	_ =	shalt  }
0x55: {  	_ =	shalt  }
0x56: {  	_ =	shalt  }
0x57: {  	_ =	shalt  }
0x58: {  	_ =	shalt  }
0x59: {  	_ =	shalt  }
0x5a: {  	_ =	shalt  }
0x5b: {  	_ =	shalt  }
0x5c: {  	_ =	shalt  }
0x5d: {  	_ =	shalt  }
0x5e: {  	_ =	shalt  }
0x5f: {  	_ =	shalt  }
0x60: {  	_ =	shalt  }
0x61: {  	_ =	shalt  }
0x62: {  	_ =	shalt  }
0x63: {  	_ =	shalt  }
0x64: {  	_ =	shalt  }
0x65: {  	_ =	shalt  }
0x66: {  	_ =	shalt  }
0x67: {  	_ =	shalt  }
0x68: {  	_ =	shalt  }
0x69: {  	_ =	shalt  }
0x6a: {  	_ =	shalt  }
0x6b: {  	_ =	shalt  }
0x6c: {  	_ =	shalt  }
0x6d: {  	_ =	shalt  }
0x6e: {  	_ =	shalt  }
0x6f: {  	_ =	shalt  }
0x70: {  	_ =	shalt  }
0x71: {  	_ =	shalt  }
0x72: {  	_ =	shalt  }
0x73: {  	_ =	shalt  }
0x74: {  	_ =	shalt  }
0x75: {  	_ =	shalt  }
0x76: {  	_ =	shalt  }
0x77: {  	_ =	shalt  }
0x78: {  	_ =	shalt  }
0x79: {  	_ =	shalt  }
0x7a: {  	_ =	shalt  }
0x7b: {  	_ =	shalt  }
0x7c: {  	_ =	shalt  }
0x7d: {  	_ =	shalt  }
0x7e: {  	_ =	shalt  }
0x7f: {  	_ =	shalt  }
0x80: {  	_ =	shalt  }
0x81: {  	_ =	shalt  }
0x82: {  	_ =	shalt  }
0x83: {  	_ =	shalt  }
0x84: {  	_ =	shalt  }
0x85: {  	_ =	shalt  }
0x86: {  	_ =	shalt  }
0x87: {  	_ =	shalt  }
.Lfunc_end0:
.L_simem_size_0:
called_computation_lowered:
.L_overlay_start_0:
0x88: {  	s2 =	sld [smem:$0x3FD9]  }
0x89: {  	s3 =	sld [smem:$0x3FFE];
	_ =	sdelay $0x1  }
0x8a: {  	s1 =	srdreg.scid  }
0x8b: {  	s0 =	sand.u32 $0x1, s1  }
0x8c: {  	s17 =	sshll.u32 s0, $0xA;
	s2 =	sadd.s32 s3, s2  }
0x8d: {  	s2 =	sadd.s32 s2, s17  }
0x8e: {  	[smem:$0x3FC0] =	sst s2  }
0x8f: {  	_ = 	snop  }
0x90: {  	s2 =	sld [smem:$0x3FD0];
	(tm) =	ssettm $0x1  }
0x91: {  	s18 =	sld [smem:$0x3FFB];
	_ =	sdelay $0x3  }
0x92: {  	_ =	strace s18  }
0x93: {  	s3 =	sld [smem:$0x3FFC];
	_ =	sdelay $0x3  }
0x94: {  	_ =	strace s3  }
0x95: {  	s3 =	sld [smem:$0x3FFD];
	_ =	sdelay $0x3  }
0x96: {  	_ =	strace s3  }
0x97: {  	_ =	strace $0x8FFFFFFF  }
0x98: {  	s19 =	sld [smem:$0x3FDB];
	_ =	sdelay $0x1  }
0x99: {  	s4 =	simm.s32 $_scs_section_size  }
0x9a: {  	s5 =	simm.s32 $_size__tile_overlayer_lowered;
	s6 =	simm.s32 $_tile_overlayer_lowered  }
0x9b: {  	s22 =	simm.s32 $0x1BFF;
	s21 =	sshll.u32 s6, $0x1;
	s3 =	sadd.s32 s4, s19  }
0x9c: {  	s7 =	simm.s32 $0x0;
	s20 =	sshll.u32 s5, $0x1;
	s5 =	sadd.s32 s21, s3  }
0x9d: {  	[timem:s7], [sflag:s22] =	dma.local [hbm:s5], s20  }
0x9e: {  	_ =	swait.ge [sflag:s22], s20  }
0x9f: {  	s4 =	ssub.s32 $0x0, s20;
	[sflag:s22] =	ssyncset.done $0x0  }
0xa0: {  	[sflag:s22] =	ssyncadd.s32 s4;
	_ =	sdelay $0x1  }
0xa1: {  	s23 =	simm.s32 $0x1B8B  }
0xa2: {  	_ =	swait.ge [sflag:s23], $0x1  }
0xa3: {  	[sflag:s23] =	ssyncset.done $0x0  }
0xa4: {  	s25 =	simm.s32 $0x1B8E;
	s24 =	sld [smem:$0x3FFE];
	[sflag:s23] =	ssyncadd.s32 $0xFFFFFFFF  }
0xa5: {  	s26 =	simm.s32 $execute0_lowered;
	[smem:$0x3FD2] =	sst s25  }
0xa6: {  	s5 =	sshll.u32 s26, $0x1;
	_ =	strace $0x80000046;
	[dreg:$0x1] =	wrdreg $0xFFFFFFFF  }
0xa7: {  	s28 =	simm.s32 $_size_execute0_lowered;
	s3 =	sadd.s32 s3, s5;
	[dreg:$0x0] =	wrdreg $0x0  }
0xa8: {  	s5 =	sshll.u32 s28, $0x1;
	[dreg:$0x2] =	wrdreg s3  }
0xa9: {  	[dreg:$0x3] =	wrdreg s5  }
0xaa: {  	[dreg:$0x4] =	wrdreg $0xC0  }
0xab: {  	_ =	task [dreg:s7], $0x5FFFF  }
0xac: {  	[dreg:$0x1] =	wrdreg $0xFFFFFFFF  }
0xad: {  	[dreg:$0x0] =	wrdreg $0x60  }
0xae: {  	[dreg:$0x2] =	wrdreg s2  }
0xaf: {  	[dreg:$0x3] =	wrdreg s24  }
0xb0: {  	[dreg:$0x4] =	wrdreg $0x0  }
0xb1: {  	[dreg:$0x5] =	wrdreg $0xA0000  }
0xb2: {  	[dreg:$0x6] =	wrdreg $0x9  }
0xb3: {  	_ =	task.clear_ibuf [dreg:s7], $0x7FFFF;
	_ =	strace $0x90000046  }
0xb4: {  	s29 =	simm.s32 $0x9;
	_ =	strace $0x80000048  }
0xb5: {  	_ =	swait.ge [sflag:s29], $0x1  }
0xb6: {  	[sflag:s29] =	ssyncadd.s32 $0xFFFFFFFF  }
0xb7: {  	_ =	strace $0x90000048  }
0xb8: {  	_ =	sfence  }
0xb9: {  	s30 =	sld [smem:$0x0];
	_ =	sdelay $0x2  }
0xba: {  	s31 =	sshll.u32 s1, $0xD;
	s1 =	sshrl.u32 s1, $0x2  }
0xbb: {  	s3 =	sand.u32 $0x4000, s31;
	s1 =	sadd.s32 s1, s30  }
0xbc: {  	s0 =	sor.u32 s3, s0;
	s1 =	sshll.u32 s1, $0x11  }
0xbd: {  	s0 =	sor.u32 s1, s0  }
0xbe: {  	s0 =	sadd.s32 $0x8F2B, s0  }
0xbf: {  	[sflag:s0] =	ssyncadd.remote.s32 $0x1  }
0xc0: {  	_ =	sfence.sel $0xFFFF  }
0xc1: {  	[dreg:$0x0] =	wrdreg $0xFFFFFFFF;
	(pc) =	sbr.abs _section_cstart, $3  }
0xc2: {  	[dreg:$0x1] =	wrdreg $0xFFFFFFFF  }
0xc3: {  	_ =	task.clear_ibuf [dreg:s7], $0x2FFFF;
	_ =	strace $0x9FFFFFFF  }
0xc4: {  	(tm) =	ssettm $0x7FFFFFFF  }
0xc5: {  	_ =	shalt  }
tec
execute0_lowered:
.L_overlay_start_1:
0x0: {  	(tag) =	ssettag $0x1  }
0x1: {  	s1 =	rddreg [dreg:$0x0]  }
0x2: {  	s0 =	rddreg [dreg:$0x1]  }
0x3: {  	s2 =	rddreg [dreg:$0x2]  }
0x4: {  	s3 =	rddreg [dreg:$0x3];
	s4 =	srdreg.scid;
	s7 =	simm.s32 $0x0  }
0x5: {  	s5 =	stileid.u32;
	s19 =	simm.s32 $0x50;
	s20 =	simm.s32 $0x15040  }
0x6: {  	s21 =	simm.s32 $0x16440;
	s22 =	simm.s32 $0x1;
	s23 =	simm.s32 $0x1  }
0x7: {  	s24 =	simm.s32 $0x4;
	s29 =	simm.s32 $0x10;
	s10 =	smul.u32 $0x14000, s5  }
0x8: {  	s31 =	simm.s32 $0x0;
	s4 =	sand.u32 $0x1, s4;
	s12 =	smul.u32 $0x1388, s5  }
0x9: {  	[smem:$0x7FF] =	sst s7;
	s25 =	sadd.s32 $0x29E00, s0;
	s14 =	smul.u32 $0x28000, s5  }
0xa: {  	s26 =	sadd.s32 $0x29A00, s0;
	s28 =	smul.u32 $0x5000, s5;
	s30 =	sshll.u32 s5, $0x6  }
0xb: {  	s6 =	smul.u32 $0x13880, s4;
	_ =	strace $0x80000047;
	[dreg:$0x5] =	wrdreg s25  }
0xc: {  	s8 =	sshll.u32 s4, $0x6;
	[dreg:$0x6] =	wrdreg s26;
	s13 =	ssub.s32 $0x2, s4  }
0xd: {  	p0 =	seq.s32 s4, $0x0;
	s25 =	simm.s32 $0x2;
	s11 =	sor.u32 s8, s10  }
0xe: {  	s8 =	sadd.s32 $0x29800, s0;
	s15 =	sshrl.u32 s13, $0x1;
	s14 =	sshrl.u32 s14, $0x2  }
0xf: {  	s10 =	sshrl.u32 s10, $0x3;
	s22 =	simm.s32 @!p0 $0x0;
	s9 =	sadd.s32 s6, s0  }
0x10: {  	s11 =	sshrl.u32 s11, $0x3;
	s13 =	ssub.s32 s13, s15;
	s16 =	sadd.s32 s14, s2  }
0x11: {  	s14 =	simm.s32 $0x3;
	s15 =	sor.u32 $0x1C03, s30;
	s11 =	sadd.s32 s11, s0  }
0x12: {  	s9 =	sadd.s32 s12, s9;
	s0 =	sadd.s32 s4, s0;
	s12 =	sshrl.u32 s28, $0x2  }
0x13: {  	s16 =	sshrl.u32 s16, $0x3;
	s9 =	sadd.s32 $0x2600, s9;
	s17 =	sadd.s32 s12, s3  }
0x14: {  	s0 =	sadd.s32 s10, s0;
	s10 =	sadd.s32 $0x2B200, s11;
	s12 =	smax.u32 s13, $0x1  }
0x15: {  	s13 =	simm.s32 $0xB400;
	s11 =	sadd.s32 $0x53200, s0;
	s18 =	sshrl.u32 s17, $0x3  }
.LBB2_1:
0x16: {  	s0 =	simm.s32 $0x0  }
0x17: {  	[tilespmem:s13], [sflag:$0x3] =	stream.linear.gather [hbm4b:s9+s0], $0x9C40, $0x38;
	[tilespmem:$0x17AC0] =	vst v63  }
0x18: {  	_ =	swait.ge [sflag:s14], $0x9C40  }
0x19: {  	[sflag:s14] =	ssyncset.done $0x0  }
0x1a: {  	s4 =	rddreg [dreg:$0x5];
	[sflag:s14] =	ssyncadd.s32 $0xFFFF63C0  }
0x1b: {  	[spmem:s16], [sflag:s15] =	dma.local [hbm:s4], $0x1400  }
0x1c: {  	_ =	swait.ge [sflag:s14], $0x1400  }
0x1d: {  	[sflag:s14] =	ssyncset.done $0x0  }
0x1e: {  	s7 =	simm.s32 $0x17840;
	[sflag:s14] =	ssyncadd.s32 $0xFFFFEC00  }
0x1f: {  	[tilespmem:s7], [sflag:$0x3] =	stream.linear.gather [hbm4b:s8+s0], $0x280, $0x38;
	[tilespmem:$0x17AC0] =	vst v63  }
0x20: {  	_ =	swait.ge [sflag:s14], $0x280  }
0x21: {  	[sflag:s14] =	ssyncset.done $0x0  }
0x22: {  	s17 =	rddreg [dreg:$0x6];
	[sflag:s14] =	ssyncadd.s32 $0xFFFFFD80  }
0x23: {  	[spmem:s18], [sflag:s15] =	dma.local [hbm:s17], $0x280  }
0x24: {  	_ =	swait.ge [sflag:s14], $0x280  }
0x25: {  	[sflag:s14] =	ssyncset.done $0x0  }
0x26: {  	[sflag:s14] =	ssyncadd.s32 $0xFFFFFD80  }
0x27: {  	[bflag:$0x0] =	sbarrier.arrive $0xFFFF  }
0x28: {  	[tilespmem:s20], [sflag:$0x1] =	stream.indirect.gather [hbm4b:s1+s19], $0x40, s13, s19, $0xb8;
	[tilespmem:$0x17AC0] =	vst v63  }
0x29: {  	s26 =	simm.s32 $0xB450  }
0x2a: {  	[tilespmem:s21], [sflag:$0x2] =	stream.indirect.gather [hbm4b:s1+s19], $0x40, s26, s19, $0xb8;
	[tilespmem:$0x17AC0] =	vst v63  }
0x2b: {  	_ =	swait.ge [sflag:s23], $0x1400  }
0x2c: {  	p1 =	por $0x0, $0x0;
	s0 =	simm.s32 $0x1;
	[sflag:s23] =	ssyncset.done $0x0  }
0x2d: {  	s4 =	simm.s32 $0x10220;
	s0 =	simm.s32 @!p1 $0x0;
	[sflag:s23] =	ssyncadd.s32 $0xFFFFEC00  }
0x2e: {  	[spmem:s2] =	stream.indirect.scatter.add.f32 [tilespmem:s20], [sflag:$0x4], $0x40, s4, s19, $0xb8;
	[tilespmem:$0x17AC0] =	vst v63  }
0x2f: {  	p1 =	seq.s32 s22, s0;
	_ =	swait.ge [sflag:s24], $0x1400  }
0x30: {  	s0 =	simm.s32 @!p1 $0x50;
	[sflag:s24] =	ssyncset.done $0x0  }
0x31: {  	s17 =	simm.s32 @!p1 $0x17840;
	s26 =	simm.s32 @!p1 $0x4;
	[sflag:s24] =	ssyncadd.s32 $0xFFFFEC00  }
0x32: {  	[spmem:s3] =	stream.indirect.scatter.add.f32 @!p1 [tilespmem:s17], [sflag:$0x4], $0x8, s4, s0, $0xb8;
	[tilespmem:$0x17AC0] =	vst v63  }
0x33: {  	_ =	swait.ge @!p1 [sflag:s26], $0x280  }
0x34: {  	[sflag:s26] =	ssyncset.done @!p1 $0x0  }
0x35: {  	s28 =	simm.s32 $0xB4A0;
	[sflag:s26] =	ssyncadd.s32 @!p1 $0xFFFFFD80  }
0x36: {  	[tilespmem:s20], [sflag:$0x1] =	stream.indirect.gather [hbm4b:s1+s19], $0x40, s28, s19, $0xb8;
	[tilespmem:$0x17AC0] =	vst v63  }
0x37: {  	_ =	swait.ge [sflag:s25], $0x1400  }
0x38: {  	[sflag:s25] =	ssyncset.done $0x0  }
0x39: {  	s0 =	simm.s32 $0x10270;
	[sflag:s25] =	ssyncadd.s32 $0xFFFFEC00  }
0x3a: {  	[spmem:s2] =	stream.indirect.scatter.add.f32 [tilespmem:s21], [sflag:$0x4], $0x40, s0, s19, $0xb8;
	[tilespmem:$0x17AC0] =	vst v63  }
0x3b: {  	p2 =	por $0x1, $0x1;
	p1 =	por $0x0, $0x0;
	_ =	swait.ge [sflag:s24], $0x1400  }
0x3c: {  	p2 =	por @!p0 p1, p1;
	[sflag:s24] =	ssyncset.done $0x0  }
0x3d: {  	s4 =	simm.s32 @p2 $0x50;
	s17 =	simm.s32 @p2 $0x17840;
	[sflag:s24] =	ssyncadd.s32 $0xFFFFEC00  }
0x3e: {  	[spmem:s3] =	stream.indirect.scatter.add.f32 @p2 [tilespmem:s17], [sflag:$0x3], $0x8, s0, s4, $0xb8;
	[tilespmem:$0x17AC0] =	vst v63  }
0x3f: {  	s26 =	simm.s32 $0x500;
	s30 =	simm.s32 @p2 $0x3;
	s0 =	simm.s32 $0x3  }
0x40: {  	s17 =	simm.s32 $0xA0;
	s4 =	simm.s32 $0x1;
	_ =	swait.ge @p2 [sflag:s30], $0x280  }
.LBB2_2:
0x41: {  	s5 =	sadd.s32 $0xB450, s17  }
0x42: {  	[sflag:s30] =	ssyncset.done @p2 $0x0;
	s28 =	smov.u32 s26;
	s26 =	sadd.s32 $0x280, s26  }
0x43: {  	p1 =	sne.s32 s26, $0x13600;
	[sflag:s30] =	ssyncadd.s32 @p2 $0xFFFFFD80  }
0x44: {  	[tilespmem:s21], [sflag:$0x2] =	stream.indirect.gather [hbm4b:s1+s19], $0x40, s5, s19, $0xb8;
	[tilespmem:$0x17AC0] =	vst v63  }
0x45: {  	p2 =	sgt.u32 s4, $0x3E;
	_ =	swait.ge [sflag:s23], $0x1400  }
0x46: {  	s30 =	simm.s32 $0x1;
	s5 =	sadd.s32 $0x10220, s17;
	[sflag:s23] =	ssyncset.done $0x0  }
0x47: {  	s30 =	simm.s32 @!p2 $0x0;
	[sflag:s23] =	ssyncadd.s32 $0xFFFFEC00  }
0x48: {  	[spmem:s2] =	stream.indirect.scatter.add.f32 [tilespmem:s20], [sflag:$0x4], $0x40, s5, s19, $0xb8;
	[tilespmem:$0x17AC0] =	vst v63  }
0x49: {  	p2 =	seq.s32 s22, s30;
	_ =	swait.ge [sflag:s24], $0x1400  }
0x4a: {  	s30 =	simm.s32 @!p2 $0x50;
	s6 =	simm.s32 @!p2 $0x17840;
	[sflag:s24] =	ssyncset.done $0x0  }
0x4b: {  	s7 =	simm.s32 @!p2 $0x4;
	[sflag:s24] =	ssyncadd.s32 $0xFFFFEC00  }
0x4c: {  	[spmem:s3] =	stream.indirect.scatter.add.f32 @!p2 [tilespmem:s6], [sflag:$0x4], $0x8, s5, s30, $0xb8;
	[tilespmem:$0x17AC0] =	vst v63  }
0x4d: {  	_ =	swait.ge @!p2 [sflag:s7], $0x280  }
0x4e: {  	s5 =	sadd.s32 $0xB4A0, s17;
	[sflag:s7] =	ssyncset.done @!p2 $0x0  }
0x4f: {  	[sflag:s7] =	ssyncadd.s32 @!p2 $0xFFFFFD80  }
0x50: {  	[tilespmem:s20], [sflag:$0x1] =	stream.indirect.gather [hbm4b:s1+s19], $0x40, s5, s19, $0xb8;
	[tilespmem:$0x17AC0] =	vst v63  }
0x51: {  	_ =	swait.ge [sflag:s25], $0x1400  }
0x52: {  	s5 =	sadd.s32 $0x10270, s17;
	[sflag:s25] =	ssyncset.done $0x0  }
0x53: {  	p3 =	sgt.u32 s4, $0x3D;
	p2 =	slt.u32 s0, $0x7D;
	[sflag:s25] =	ssyncadd.s32 $0xFFFFEC00  }
0x54: {  	[spmem:s2] =	stream.indirect.scatter.add.f32 [tilespmem:s21], [sflag:$0x4], $0x40, s5, s19, $0xb8;
	[tilespmem:$0x17AC0] =	vst v63  }
.Ltmp0:
0x55: {  	p2 =	por @!p0 p3, p3;
	_ =	swait.ge [sflag:s24], $0x1400;
	(pc) =	sbr.rel @p1 .LBB2_2-.Ltmp0, $4  }
0x56: {  	s6 =	simm.s32 @p2 $0x50;
	s7 =	simm.s32 @p2 $0x17840;
	[sflag:s24] =	ssyncset.done $0x0  }
0x57: {  	s0 =	sadd.s32 $0x2, s0;
	s30 =	simm.s32 @p2 $0x3;
	[sflag:s24] =	ssyncadd.s32 $0xFFFFEC00  }
0x58: {  	[spmem:s3] =	stream.indirect.scatter.add.f32 @p2 [tilespmem:s7], [sflag:$0x3], $0x8, s5, s6, $0xb8;
	[tilespmem:$0x17AC0] =	vst v63  }
0x59: {  	s4 =	sadd.s32 $0x1, s4;
	s17 =	sshra.s32 s28, $0x2;
	_ =	swait.ge @p2 [sflag:s30], $0x280  }
0x5a: {  	[sflag:s30] =	ssyncset.done @p2 $0x0  }
0x5b: {  	s5 =	sadd.s32 $0xB450, s17;
	[sflag:s30] =	ssyncadd.s32 @p2 $0xFFFFFD80  }
0x5c: {  	[tilespmem:s21], [sflag:$0x2] =	stream.indirect.gather [hbm4b:s1+s19], $0x40, s5, s19, $0xb8;
	[tilespmem:$0x17AC0] =	vst v63  }
0x5d: {  	_ =	swait.ge [sflag:s23], $0x1400  }
0x5e: {  	p1 =	sgt.u32 s4, $0x3E;
	[sflag:s23] =	ssyncset.done $0x0  }
0x5f: {  	s6 =	simm.s32 $0x1;
	s5 =	sadd.s32 $0x10220, s17;
	[sflag:s23] =	ssyncadd.s32 $0xFFFFEC00  }
0x60: {  	[spmem:s2] =	stream.indirect.scatter.add.f32 [tilespmem:s20], [sflag:$0x4], $0x40, s5, s19, $0xb8;
	[tilespmem:$0x17AC0] =	vst v63  }
0x61: {  	s6 =	simm.s32 @!p1 $0x0;
	_ =	swait.ge [sflag:s24], $0x1400  }
0x62: {  	p1 =	seq.s32 s22, s6;
	[sflag:s24] =	ssyncset.done $0x0  }
0x63: {  	s6 =	simm.s32 @!p1 $0x50;
	s7 =	simm.s32 @!p1 $0x17840;
	[sflag:s24] =	ssyncadd.s32 $0xFFFFEC00  }
0x64: {  	[spmem:s3] =	stream.indirect.scatter.add.f32 @!p1 [tilespmem:s7], [sflag:$0x4], $0x8, s5, s6, $0xb8;
	[tilespmem:$0x17AC0] =	vst v63  }
0x65: {  	s5 =	simm.s32 @!p1 $0x4  }
0x66: {  	_ =	swait.ge @!p1 [sflag:s5], $0x280  }
0x67: {  	[sflag:s5] =	ssyncset.done @!p1 $0x0  }
0x68: {  	s7 =	sadd.s32 $0xB4A0, s17;
	[sflag:s5] =	ssyncadd.s32 @!p1 $0xFFFFFD80  }
0x69: {  	[tilespmem:s20], [sflag:$0x1] =	stream.indirect.gather [hbm4b:s1+s19], $0x40, s7, s19, $0xb8;
	[tilespmem:$0x17AC0] =	vst v63  }
0x6a: {  	_ =	swait.ge [sflag:s25], $0x1400  }
0x6b: {  	p2 =	sgt.u32 s4, $0x3D;
	[sflag:s25] =	ssyncset.done $0x0  }
0x6c: {  	s5 =	sadd.s32 $0x10270, s17;
	p1 =	slt.u32 s0, $0x7D;
	[sflag:s25] =	ssyncadd.s32 $0xFFFFEC00  }
0x6d: {  	[spmem:s2] =	stream.indirect.scatter.add.f32 [tilespmem:s21], [sflag:$0x4], $0x40, s5, s19, $0xb8;
	[tilespmem:$0x17AC0] =	vst v63  }
0x6e: {  	p1 =	por @!p0 p2, p2;
	_ =	swait.ge [sflag:s24], $0x1400  }
0x6f: {  	s0 =	simm.s32 @p1 $0x50;
	[sflag:s24] =	ssyncset.done $0x0  }
0x70: {  	s4 =	simm.s32 @p1 $0x17840;
	s6 =	simm.s32 @p1 $0x3;
	[sflag:s24] =	ssyncadd.s32 $0xFFFFEC00  }
0x71: {  	[spmem:s3] =	stream.indirect.scatter.add.f32 @p1 [tilespmem:s4], [sflag:$0x3], $0x8, s5, s0, $0xb8;
	[tilespmem:$0x17AC0] =	vst v63  }
0x72: {  	_ =	swait.ge @p1 [sflag:s6], $0x280  }
0x73: {  	[sflag:s6] =	ssyncset.done @p1 $0x0  }
0x74: {  	s26 =	simm.s32 $0x101D0;
	[sflag:s6] =	ssyncadd.s32 @p1 $0xFFFFFD80  }
0x75: {  	[tilespmem:s21], [sflag:$0x2] =	stream.indirect.gather [hbm4b:s1+s19], $0x40, s26, s19, $0xb8;
	[tilespmem:$0x17AC0] =	vst v63  }
0x76: {  	_ =	swait.ge [sflag:s23], $0x1400  }
0x77: {  	[sflag:s23] =	ssyncset.done $0x0  }
0x78: {  	s28 =	simm.s32 $0x14FA0;
	[sflag:s23] =	ssyncadd.s32 $0xFFFFEC00  }
0x79: {  	[spmem:s2] =	stream.indirect.scatter.add.f32 [tilespmem:s20], [sflag:$0x4], $0x40, s28, s19, $0xb8;
	[tilespmem:$0x17AC0] =	vst v63  }
0x7a: {  	_ =	swait.ge [sflag:s24], $0x1400  }
0x7b: {  	[sflag:s24] =	ssyncset.done $0x0  }
0x7c: {  	s0 =	simm.s32 @p0 $0x2;
	[sflag:s24] =	ssyncadd.s32 $0xFFFFEC00  }
0x7d: {  	_ =	swait.ge @p0 [sflag:s0], $0x1400  }
0x7e: {  	s4 =	simm.s32 @p0 $0x14FF0;
	[sflag:s0] =	ssyncset.done @p0 $0x0  }
0x7f: {  	s5 =	simm.s32 @p0 $0x16440;
	[sflag:s0] =	ssyncadd.s32 @p0 $0xFFFFEC00;
	s0 =	simm.s32 @p0 $0x50  }
0x80: {  	[spmem:s2] =	stream.indirect.scatter.add.f32 @p0 [tilespmem:s5], [sflag:$0x4], $0x40, s4, s0, $0xb8;
	[tilespmem:$0x17AC0] =	vst v63  }
0x81: {  	s0 =	simm.s32 @p0 $0x4  }
0x82: {  	_ =	swait.ge @p0 [sflag:s0], $0x1400  }
0x83: {  	s4 =	simm.s32 @!p0 $0x14FA0;
	[sflag:s0] =	ssyncset.done @p0 $0x0  }
0x84: {  	s5 =	simm.s32 @!p0 $0x17840;
	[sflag:s0] =	ssyncadd.s32 @p0 $0xFFFFEC00;
	s0 =	simm.s32 @!p0 $0x50  }
0x85: {  	[spmem:s3] =	stream.indirect.scatter.add.f32 @!p0 [tilespmem:s5], [sflag:$0x4], $0x8, s4, s0, $0xb8;
	[tilespmem:$0x17AC0] =	vst v63  }
0x86: {  	s4 =	simm.s32 @!p0 $0x4  }
0x87: {  	_ =	swait.ge @!p0 [sflag:s4], $0x280  }
0x88: {  	[sflag:s4] =	ssyncset.done @!p0 $0x0  }
0x89: {  	s6 =	simm.s32 @!p0 $0x2;
	[sflag:s4] =	ssyncadd.s32 @!p0 $0xFFFFFD80  }
0x8a: {  	_ =	swait.ge @!p0 [sflag:s6], $0x1400  }
0x8b: {  	[sflag:s6] =	ssyncset.done @!p0 $0x0  }
0x8c: {  	s7 =	simm.s32 @!p0 $0x16440;
	[sflag:s6] =	ssyncadd.s32 @!p0 $0xFFFFEC00;
	s6 =	simm.s32 @!p0 $0x14FF0  }
0x8d: {  	[spmem:s2] =	stream.indirect.scatter.add.f32 @!p0 [tilespmem:s7], [sflag:$0x4], $0x40, s6, s0, $0xb8;
	[tilespmem:$0x17AC0] =	vst v63  }
0x8e: {  	_ =	swait.ge @!p0 [sflag:s4], $0x1400  }
0x8f: {  	[sflag:s4] =	ssyncset.done @!p0 $0x0  }
0x90: {  	[sflag:s4] =	ssyncadd.s32 @!p0 $0xFFFFEC00  }
0x91: {  	[spmem:s3] =	stream.indirect.scatter.add.f32 @!p0 [tilespmem:s5], [sflag:$0x3], $0x8, s6, s0, $0xb8;
	[tilespmem:$0x17AC0] =	vst v63  }
0x92: {  	s0 =	simm.s32 @!p0 $0x3  }
0x93: {  	_ =	swait.ge @!p0 [sflag:s0], $0x280  }
0x94: {  	[sflag:s0] =	ssyncset.done @!p0 $0x0  }
0x95: {  	[sflag:s0] =	ssyncadd.s32 @!p0 $0xFFFFFD80  }
0x96: {  	s30 =	simm.s32 $0x8;
	[bflag:$0x0] =	sbarrier.arrive $0xFFFF  }
0x97: {  	[hbm:s10@s29], [sflag:s15] =	dma.strided [spmem:s16@s30], $0x1400, s23, $0x8   }
0x98: {  	s31 =	sadd.s32 $0x1, s31;
	_ =	swait.ge [sflag:s14], $0x1400  }
0x99: {  	p1 =	sne.s32 s31, s12;
	[sflag:s14] =	ssyncset.done $0x0  }
.Ltmp1:
0x9a: {  	[sflag:s14] =	ssyncadd.s32 $0xFFFFEC00;
	(pc) =	sbr.rel @p1 .LBB2_1-.Ltmp1, $4  }
0x9b: {  	[hbm:s11@s29], [sflag:s15] =	dma.strided [spmem:s18@s23], $0x280, s23, $0x1   }
0x9c: {  	_ =	swait.ge [sflag:s14], $0x280  }
0x9d: {  	[sflag:s14] =	ssyncset.done $0x0  }
0x9e: {  	[sflag:s14] =	ssyncadd.s32 $0xFFFFFD80  }
0x9f: {  	_ =	sfence.sel $0x180000  }
0xa0: {  	[bflag:$0x0] =	sbarrier.arrive $0xFFFF  }
0xa1: {  	_ =	strace $0x90000047  }
0xa2: {  	s0 =	stileid.u32;
	[bflag:$0x2] =	sbarrier.arrive $0xFFFF  }
0xa3: {  	p0 =	sne.s32 s0, $0x0;
	s0 =	rddreg [dreg:$0x4]  }
0xa4: {  	s0 =	sadd.s32 @!p0 $0x100000, s0  }
0xa5: {  	[sflag:s0] =	ssyncadd.tile.s32 @!p0 $0x1;
	_ =	shalt  }
.Lfunc_end2:
_tile_overlayer_lowered:
.L_overlay_start_2:
0xa6: {  	(tag) =	ssettag $0x2  }
0xa7: {  	s0 =	rddreg [dreg:$0x0];
	s2 =	stileid.u32  }
0xa8: {  	s1 =	rddreg [dreg:$0x1];
	p0 =	sne.s32 s2, $0x0  }
0xa9: {  	s3 =	rddreg [dreg:$0x2];
	[bflag:$0x3] =	sbarrier.arrive $0xFFFF;
	s2 =	simm.s32 @!p0 $0x1C03  }
0xaa: {  	[timem:s3], [sflag:s2] =	dma.local @!p0 [hbm:s0], s1  }
0xab: {  	s0 =	simm.s32 @!p0 $0x3  }
0xac: {  	_ =	swait.ge @!p0 [sflag:s0], s1  }
0xad: {  	s1 =	ssub.s32 @!p0 $0x0, s1;
	[sflag:s0] =	ssyncset.done @!p0 $0x0  }
0xae: {  	[sflag:s0] =	ssyncadd.s32 @!p0 s1  }
0xaf: {  	[bflag:$0x3] =	sbarrier.arrive $0xFFFF  }
0xb0: {  	_ =	shalt  }

</sc_bundles>
